<compile_context>
chip_gen: v7x
topology: tpu7x:2x2x1
jax: 0.10.2.dev20260603
libtpu: 0.0.44.dev20260713+nightly
codegen_flags: <defaults>
</compile_context>

<pallas_src>
import jax
import jax.numpy as jnp
from jax import lax
from jax.experimental import pallas as pl
from jax.experimental.pallas import tpu as pltpu
from jax.experimental.pallas import tpu_sc as plsc

_LN2 = 0.6931471805599453
_BATCH = 16384
_NC = 2
_NS = 16
_LANES = 16
_NW = _NC * _NS
_B_PER_W = _BATCH // _NW
_HALF = _B_PER_W // 2


def _body(ids_hbm, vars_hbm, out_hbm, idx_v, rows_v, sem, gsem0, gsem1, wsem):
    gsems = (gsem0, gsem1)
    wid = lax.axis_index("s") * _NC + lax.axis_index("c")
    base = wid * _B_PER_W
    ids_src = ids_hbm.at[pl.ds(base, _B_PER_W)]
    pltpu.async_copy(ids_src, idx_v, sem)
    pltpu.make_async_copy(ids_src, idx_v, sem).wait()
    for h in range(2):
        pltpu.async_copy(
            vars_hbm.at[idx_v.at[pl.ds(h * _HALF, _HALF)]],
            rows_v.at[pl.ds(h * _HALF, _HALF)], gsems[h])
    for h in range(2):
        pltpu.make_async_copy(
            vars_hbm.at[idx_v.at[pl.ds(h * _HALF, _HALF)]],
            rows_v.at[pl.ds(h * _HALF, _HALF)], gsems[h]).wait()

        for i in range(_HALF // _LANES):
            v = rows_v[pl.ds(h * _HALF + i * _LANES, _LANES)]
            rows_v[pl.ds(h * _HALF + i * _LANES, _LANES)] = jnp.exp(v * _LN2)
        pltpu.async_copy(
            rows_v.at[pl.ds(h * _HALF, _HALF)],
            out_hbm.at[pl.ds(base + h * _HALF, _HALF)], wsem)
    for h in range(2):
        pltpu.make_async_copy(
            rows_v.at[pl.ds(h * _HALF, _HALF)],
            out_hbm.at[pl.ds(base + h * _HALF, _HALF)], wsem).wait()


@jax.jit
def kernel(ids, vars_):
    mesh = plsc.VectorSubcoreMesh(core_axis_name="c", subcore_axis_name="s")
    run = pl.kernel(
        _body,
        out_type=jax.ShapeDtypeStruct((_BATCH,), jnp.float32),
        mesh=mesh,
        scratch_types=[
            pltpu.VMEM((_B_PER_W,), jnp.int32),
            pltpu.VMEM((_B_PER_W,), jnp.float32),
            pltpu.SemaphoreType.DMA,
            pltpu.SemaphoreType.DMA,
            pltpu.SemaphoreType.DMA,
            pltpu.SemaphoreType.DMA,
        ],
    )
    return run(ids.astype(jnp.int32), vars_)

# --- scband reference (transcript-rebuilt; emitter-appended) ---
"""Pipeline reference for scband-exposure-refine-90812788506957 (READ-ONLY COPY).

The authoritative reference and input builder live on the scoring server;
editing this copy changes nothing except your own understanding.
"""

import jax, jax.numpy as jnp
import numpy as np

NUM_FRAME = 100000
BATCH = 16384
LN2 = 0.6931471805599453


def setup_inputs(seed: int = 0) -> dict:
    key = jax.random.key(seed)
    k_ids, k_vars = jax.random.split(key)
    ids = jax.random.randint(k_ids, (BATCH,), 0, NUM_FRAME, dtype=jnp.int64 if jax.config.jax_enable_x64 else jnp.int32)
    # learned per-frame exposure parameter (nn.Parameter of shape [num_frame]);
    # original init is zeros, use small random values for a non-degenerate reference
    vars_ = jax.random.normal(k_vars, (NUM_FRAME,), dtype=jnp.float32) * 0.1
    return {"ids": ids, "vars_": vars_}


def reference(ids, vars_):
    # exposure scale = exp(ln(2) * vars[ids])  == 2 ** vars[ids]
    gathered = jnp.take(vars_, ids, axis=0)
    return jnp.exp(LN2 * gathered)

if __name__ == "__main__":
    import jax
    _d = setup_inputs()
    print(jax.jit(kernel)(*tuple(_d.values())))

</pallas_src>

<mosaic_0001>
#map = affine_map<(d0, d1) -> (0)>
module attributes {stable_mosaic.version = 14 : i64} {
  func.func @_body(%arg0: i32, %arg1: i32, %arg2: memref<16384xi32, #tpu.memory_space<hbm>>, %arg3: memref<100000xf32, #tpu.memory_space<hbm>>, %arg4: memref<16384xf32, #tpu.memory_space<hbm>>, %arg5: memref<512xi32, #tpu.memory_space<vmem>>, %arg6: memref<512xf32, #tpu.memory_space<vmem>>, %arg7: memref<!tpu.dma_semaphore, #tpu.memory_space<semaphore_mem>>, %arg8: memref<!tpu.dma_semaphore, #tpu.memory_space<semaphore_mem>>, %arg9: memref<!tpu.dma_semaphore, #tpu.memory_space<semaphore_mem>>, %arg10: memref<!tpu.dma_semaphore, #tpu.memory_space<semaphore_mem>>) attributes {dimension_semantics = [#tpu.dimension_semantics<core_parallel>, #tpu.dimension_semantics<subcore_parallel>], iteration_bounds = array<i64: 2, 16>, scalar_prefetch = 0 : i64, scratch_operands = 6 : i64, tpu.core_type = #tpu.core_type<sc_vector_subcore>, window_params = [{transform_indices = #map}, {transform_indices = #map}, {transform_indices = #map}]} {
    %mul3A = arith.constant 2 : i32
    %mul3A_0 = arith.muli %arg1, %mul3A : i32
    %add3A = arith.addi %mul3A_0, %arg0 : i32
    %mul3A_1 = arith.constant 512 : i32
    %mul3A_2 = arith.muli %add3A, %mul3A_1 : i32
    %dma_start3A = tpu.memref_slice %arg2[%mul3A_2] : memref<16384xi32, #tpu.memory_space<hbm>> -> memref<512xi32, #tpu.memory_space<hbm>>
    %dma_start3A_3 = tpu.memref_slice %arg2[%mul3A_2] : memref<16384xi32, #tpu.memory_space<hbm>> -> memref<512xi32, #tpu.memory_space<hbm>>
    tpu.enqueue_dma source(%dma_start3A_3 : memref<512xi32, #tpu.memory_space<hbm>>) target(%arg5 : memref<512xi32, #tpu.memory_space<vmem>>) target_semaphore(%arg7 : memref<!tpu.dma_semaphore, #tpu.memory_space<semaphore_mem>>)
    %dma_wait3A = tpu.memref_slice %arg2[%mul3A_2] : memref<16384xi32, #tpu.memory_space<hbm>> -> memref<512xi32, #tpu.memory_space<hbm>>
    %dma_wait3A_4 = tpu.memref_slice %arg2[%mul3A_2] : memref<16384xi32, #tpu.memory_space<hbm>> -> memref<512xi32, #tpu.memory_space<hbm>>
    tpu.wait_dma2 semaphore(%arg7 : memref<!tpu.dma_semaphore, #tpu.memory_space<semaphore_mem>>) src(%dma_wait3A_4 : memref<512xi32, #tpu.memory_space<hbm>>) dst(%arg5 : memref<512xi32, #tpu.memory_space<vmem>>)
    %dma_start3A_5 = arith.constant 0 : i32
    %dma_start3A_6 = tpu.memref_slice %arg6[%dma_start3A_5] : memref<512xf32, #tpu.memory_space<vmem>> -> memref<256xf32, #tpu.memory_space<vmem>>
    %dma_start3A_7 = arith.constant 0 : i32
    %dma_start3A_8 = tpu.memref_slice %arg5[%dma_start3A_7] : memref<512xi32, #tpu.memory_space<vmem>> -> memref<256xi32, #tpu.memory_space<vmem>>
    %dma_start3A_9 = arith.constant 0 : i32
    %dma_start3A_10 = tpu.memref_slice %arg3[%dma_start3A_9] : memref<100000xf32, #tpu.memory_space<hbm>> -> memref<100000xf32, #tpu.memory_space<hbm>>
    tpu.enqueue_indirect_dma source(%dma_start3A_10 : memref<100000xf32, #tpu.memory_space<hbm>>) target(%dma_start3A_6 : memref<256xf32, #tpu.memory_space<vmem>>) offsets(%dma_start3A_8 : memref<256xi32, #tpu.memory_space<vmem>>) semaphore(%arg8 : memref<!tpu.dma_semaphore, #tpu.memory_space<semaphore_mem>>)
    %dma_start3A_11 = arith.constant 256 : i32
    %dma_start3A_12 = tpu.memref_slice %arg6[%dma_start3A_11] : memref<512xf32, #tpu.memory_space<vmem>> -> memref<256xf32, #tpu.memory_space<vmem>>
    %dma_start3A_13 = arith.constant 256 : i32
    %dma_start3A_14 = tpu.memref_slice %arg5[%dma_start3A_13] : memref<512xi32, #tpu.memory_space<vmem>> -> memref<256xi32, #tpu.memory_space<vmem>>
    %dma_start3A_15 = arith.constant 0 : i32
    %dma_start3A_16 = tpu.memref_slice %arg3[%dma_start3A_15] : memref<100000xf32, #tpu.memory_space<hbm>> -> memref<100000xf32, #tpu.memory_space<hbm>>
    tpu.enqueue_indirect_dma source(%dma_start3A_16 : memref<100000xf32, #tpu.memory_space<hbm>>) target(%dma_start3A_12 : memref<256xf32, #tpu.memory_space<vmem>>) offsets(%dma_start3A_14 : memref<256xi32, #tpu.memory_space<vmem>>) semaphore(%arg9 : memref<!tpu.dma_semaphore, #tpu.memory_space<semaphore_mem>>)
    %dma_wait3A_17 = arith.constant 0 : i32
    %dma_wait3A_18 = tpu.memref_slice %arg6[%dma_wait3A_17] : memref<512xf32, #tpu.memory_space<vmem>> -> memref<256xf32, #tpu.memory_space<vmem>>
    %dma_wait3A_19 = arith.constant 0 : i32
    %dma_wait3A_20 = tpu.memref_slice %arg5[%dma_wait3A_19] : memref<512xi32, #tpu.memory_space<vmem>> -> memref<256xi32, #tpu.memory_space<vmem>>
    %dma_wait3A_21 = arith.constant 0 : i32
    %dma_wait3A_22 = tpu.memref_slice %arg3[%dma_wait3A_21] : memref<100000xf32, #tpu.memory_space<hbm>> -> memref<100000xf32, #tpu.memory_space<hbm>>
    tpu.wait_indirect_dma semaphore(%arg8 : memref<!tpu.dma_semaphore, #tpu.memory_space<semaphore_mem>>) src(%dma_wait3A_22 : memref<100000xf32, #tpu.memory_space<hbm>>) dst(%dma_wait3A_18 : memref<256xf32, #tpu.memory_space<vmem>>)
    %get3A = arith.constant 0 : index
    %get3A_23 = tpu.vector_load %arg6[%get3A] {strides = array<i32>} : memref<512xf32, #tpu.memory_space<vmem>>, vector<16xf32>,
    %get3A_24 = vector.shape_cast %get3A_23 : vector<16xf32> to vector<16xf32>
    %mul3A_25 = arith.constant 0.693147182 : f32
    %mul3A_26 = vector.broadcast %mul3A_25 : f32 to vector<16xf32>
    %mul3A_27 = arith.mulf %get3A_24, %mul3A_26 : vector<16xf32>
    %exp3A = math.exp %mul3A_27 : vector<16xf32>
    %swap3A = arith.constant 0 : index
    %swap3A_28 = tpu.vector_load %arg6[%swap3A] {strides = array<i32>} : memref<512xf32, #tpu.memory_space<vmem>>, vector<16xf32>,
    %swap3A_29 = vector.shape_cast %swap3A_28 : vector<16xf32> to vector<16xf32>
    %swap3A_30 = vector.shape_cast %exp3A : vector<16xf32> to vector<16xf32>
    tpu.vector_store %arg6[%swap3A], %swap3A_30 {strides = array<i32>} : memref<512xf32, #tpu.memory_space<vmem>>, vector<16xf32>,
    %get3A_31 = arith.constant 16 : index
    %get3A_32 = tpu.vector_load %arg6[%get3A_31] {strides = array<i32>} : memref<512xf32, #tpu.memory_space<vmem>>, vector<16xf32>,
    %get3A_33 = vector.shape_cast %get3A_32 : vector<16xf32> to vector<16xf32>
    %mul3A_34 = arith.constant 0.693147182 : f32
    %mul3A_35 = vector.broadcast %mul3A_34 : f32 to vector<16xf32>
    %mul3A_36 = arith.mulf %get3A_33, %mul3A_35 : vector<16xf32>
    %exp3A_37 = math.exp %mul3A_36 : vector<16xf32>
    %swap3A_38 = arith.constant 16 : index
    %swap3A_39 = tpu.vector_load %arg6[%swap3A_38] {strides = array<i32>} : memref<512xf32, #tpu.memory_space<vmem>>, vector<16xf32>,
    %swap3A_40 = vector.shape_cast %swap3A_39 : vector<16xf32> to vector<16xf32>
    %swap3A_41 = vector.shape_cast %exp3A_37 : vector<16xf32> to vector<16xf32>
    tpu.vector_store %arg6[%swap3A_38], %swap3A_41 {strides = array<i32>} : memref<512xf32, #tpu.memory_space<vmem>>, vector<16xf32>,
    %get3A_42 = arith.constant 32 : index
    %get3A_43 = tpu.vector_load %arg6[%get3A_42] {strides = array<i32>} : memref<512xf32, #tpu.memory_space<vmem>>, vector<16xf32>,
    %get3A_44 = vector.shape_cast %get3A_43 : vector<16xf32> to vector<16xf32>
    %mul3A_45 = arith.constant 0.693147182 : f32
    %mul3A_46 = vector.broadcast %mul3A_45 : f32 to vector<16xf32>
    %mul3A_47 = arith.mulf %get3A_44, %mul3A_46 : vector<16xf32>
    %exp3A_48 = math.exp %mul3A_47 : vector<16xf32>
    %swap3A_49 = arith.constant 32 : index
    %swap3A_50 = tpu.vector_load %arg6[%swap3A_49] {strides = array<i32>} : memref<512xf32, #tpu.memory_space<vmem>>, vector<16xf32>,
    %swap3A_51 = vector.shape_cast %swap3A_50 : vector<16xf32> to vector<16xf32>
    %swap3A_52 = vector.shape_cast %exp3A_48 : vector<16xf32> to vector<16xf32>
    tpu.vector_store %arg6[%swap3A_49], %swap3A_52 {strides = array<i32>} : memref<512xf32, #tpu.memory_space<vmem>>, vector<16xf32>,
    %get3A_53 = arith.constant 48 : index
    %get3A_54 = tpu.vector_load %arg6[%get3A_53] {strides = array<i32>} : memref<512xf32, #tpu.memory_space<vmem>>, vector<16xf32>,
    %get3A_55 = vector.shape_cast %get3A_54 : vector<16xf32> to vector<16xf32>
    %mul3A_56 = arith.constant 0.693147182 : f32
    %mul3A_57 = vector.broadcast %mul3A_56 : f32 to vector<16xf32>
    %mul3A_58 = arith.mulf %get3A_55, %mul3A_57 : vector<16xf32>
    %exp3A_59 = math.exp %mul3A_58 : vector<16xf32>
    %swap3A_60 = arith.constant 48 : index
    %swap3A_61 = tpu.vector_load %arg6[%swap3A_60] {strides = array<i32>} : memref<512xf32, #tpu.memory_space<vmem>>, vector<16xf32>,
    %swap3A_62 = vector.shape_cast %swap3A_61 : vector<16xf32> to vector<16xf32>
    %swap3A_63 = vector.shape_cast %exp3A_59 : vector<16xf32> to vector<16xf32>
    tpu.vector_store %arg6[%swap3A_60], %swap3A_63 {strides = array<i32>} : memref<512xf32, #tpu.memory_space<vmem>>, vector<16xf32>,
    %get3A_64 = arith.constant 64 : index
    %get3A_65 = tpu.vector_load %arg6[%get3A_64] {strides = array<i32>} : memref<512xf32, #tpu.memory_space<vmem>>, vector<16xf32>,
    %get3A_66 = vector.shape_cast %get3A_65 : vector<16xf32> to vector<16xf32>
    %mul3A_67 = arith.constant 0.693147182 : f32
    %mul3A_68 = vector.broadcast %mul3A_67 : f32 to vector<16xf32>
    %mul3A_69 = arith.mulf %get3A_66, %mul3A_68 : vector<16xf32>
    %exp3A_70 = math.exp %mul3A_69 : vector<16xf32>
    %swap3A_71 = arith.constant 64 : index
    %swap3A_72 = tpu.vector_load %arg6[%swap3A_71] {strides = array<i32>} : memref<512xf32, #tpu.memory_space<vmem>>, vector<16xf32>,
    %swap3A_73 = vector.shape_cast %swap3A_72 : vector<16xf32> to vector<16xf32>
    %swap3A_74 = vector.shape_cast %exp3A_70 : vector<16xf32> to vector<16xf32>
    tpu.vector_store %arg6[%swap3A_71], %swap3A_74 {strides = array<i32>} : memref<512xf32, #tpu.memory_space<vmem>>, vector<16xf32>,
    %get3A_75 = arith.constant 80 : index
    %get3A_76 = tpu.vector_load %arg6[%get3A_75] {strides = array<i32>} : memref<512xf32, #tpu.memory_space<vmem>>, vector<16xf32>,
    %get3A_77 = vector.shape_cast %get3A_76 : vector<16xf32> to vector<16xf32>
    %mul3A_78 = arith.constant 0.693147182 : f32
    %mul3A_79 = vector.broadcast %mul3A_78 : f32 to vector<16xf32>
    %mul3A_80 = arith.mulf %get3A_77, %mul3A_79 : vector<16xf32>
    %exp3A_81 = math.exp %mul3A_80 : vector<16xf32>
    %swap3A_82 = arith.constant 80 : index
    %swap3A_83 = tpu.vector_load %arg6[%swap3A_82] {strides = array<i32>} : memref<512xf32, #tpu.memory_space<vmem>>, vector<16xf32>,
    %swap3A_84 = vector.shape_cast %swap3A_83 : vector<16xf32> to vector<16xf32>
    %swap3A_85 = vector.shape_cast %exp3A_81 : vector<16xf32> to vector<16xf32>
    tpu.vector_store %arg6[%swap3A_82], %swap3A_85 {strides = array<i32>} : memref<512xf32, #tpu.memory_space<vmem>>, vector<16xf32>,
    %get3A_86 = arith.constant 96 : index
    %get3A_87 = tpu.vector_load %arg6[%get3A_86] {strides = array<i32>} : memref<512xf32, #tpu.memory_space<vmem>>, vector<16xf32>,
    %get3A_88 = vector.shape_cast %get3A_87 : vector<16xf32> to vector<16xf32>
    %mul3A_89 = arith.constant 0.693147182 : f32
    %mul3A_90 = vector.broadcast %mul3A_89 : f32 to vector<16xf32>
    %mul3A_91 = arith.mulf %get3A_88, %mul3A_90 : vector<16xf32>
    %exp3A_92 = math.exp %mul3A_91 : vector<16xf32>
    %swap3A_93 = arith.constant 96 : index
    %swap3A_94 = tpu.vector_load %arg6[%swap3A_93] {strides = array<i32>} : memref<512xf32, #tpu.memory_space<vmem>>, vector<16xf32>,
    %swap3A_95 = vector.shape_cast %swap3A_94 : vector<16xf32> to vector<16xf32>
    %swap3A_96 = vector.shape_cast %exp3A_92 : vector<16xf32> to vector<16xf32>
    tpu.vector_store %arg6[%swap3A_93], %swap3A_96 {strides = array<i32>} : memref<512xf32, #tpu.memory_space<vmem>>, vector<16xf32>,
    %get3A_97 = arith.constant 112 : index
    %get3A_98 = tpu.vector_load %arg6[%get3A_97] {strides = array<i32>} : memref<512xf32, #tpu.memory_space<vmem>>, vector<16xf32>,
    %get3A_99 = vector.shape_cast %get3A_98 : vector<16xf32> to vector<16xf32>
    %mul3A_100 = arith.constant 0.693147182 : f32
    %mul3A_101 = vector.broadcast %mul3A_100 : f32 to vector<16xf32>
    %mul3A_102 = arith.mulf %get3A_99, %mul3A_101 : vector<16xf32>
    %exp3A_103 = math.exp %mul3A_102 : vector<16xf32>
    %swap3A_104 = arith.constant 112 : index
    %swap3A_105 = tpu.vector_load %arg6[%swap3A_104] {strides = array<i32>} : memref<512xf32, #tpu.memory_space<vmem>>, vector<16xf32>,
    %swap3A_106 = vector.shape_cast %swap3A_105 : vector<16xf32> to vector<16xf32>
    %swap3A_107 = vector.shape_cast %exp3A_103 : vector<16xf32> to vector<16xf32>
    tpu.vector_store %arg6[%swap3A_104], %swap3A_107 {strides = array<i32>} : memref<512xf32, #tpu.memory_space<vmem>>, vector<16xf32>,
    %get3A_108 = arith.constant 128 : index
    %get3A_109 = tpu.vector_load %arg6[%get3A_108] {strides = array<i32>} : memref<512xf32, #tpu.memory_space<vmem>>, vector<16xf32>,
    %get3A_110 = vector.shape_cast %get3A_109 : vector<16xf32> to vector<16xf32>
    %mul3A_111 = arith.constant 0.693147182 : f32
    %mul3A_112 = vector.broadcast %mul3A_111 : f32 to vector<16xf32>
    %mul3A_113 = arith.mulf %get3A_110, %mul3A_112 : vector<16xf32>
    %exp3A_114 = math.exp %mul3A_113 : vector<16xf32>
    %swap3A_115 = arith.constant 128 : index
    %swap3A_116 = tpu.vector_load %arg6[%swap3A_115] {strides = array<i32>} : memref<512xf32, #tpu.memory_space<vmem>>, vector<16xf32>,
    %swap3A_117 = vector.shape_cast %swap3A_116 : vector<16xf32> to vector<16xf32>
    %swap3A_118 = vector.shape_cast %exp3A_114 : vector<16xf32> to vector<16xf32>
    tpu.vector_store %arg6[%swap3A_115], %swap3A_118 {strides = array<i32>} : memref<512xf32, #tpu.memory_space<vmem>>, vector<16xf32>,
    %get3A_119 = arith.constant 144 : index
    %get3A_120 = tpu.vector_load %arg6[%get3A_119] {strides = array<i32>} : memref<512xf32, #tpu.memory_space<vmem>>, vector<16xf32>,
    %get3A_121 = vector.shape_cast %get3A_120 : vector<16xf32> to vector<16xf32>
    %mul3A_122 = arith.constant 0.693147182 : f32
    %mul3A_123 = vector.broadcast %mul3A_122 : f32 to vector<16xf32>
    %mul3A_124 = arith.mulf %get3A_121, %mul3A_123 : vector<16xf32>
    %exp3A_125 = math.exp %mul3A_124 : vector<16xf32>
    %swap3A_126 = arith.constant 144 : index
    %swap3A_127 = tpu.vector_load %arg6[%swap3A_126] {strides = array<i32>} : memref<512xf32, #tpu.memory_space<vmem>>, vector<16xf32>,
    %swap3A_128 = vector.shape_cast %swap3A_127 : vector<16xf32> to vector<16xf32>
    %swap3A_129 = vector.shape_cast %exp3A_125 : vector<16xf32> to vector<16xf32>
    tpu.vector_store %arg6[%swap3A_126], %swap3A_129 {strides = array<i32>} : memref<512xf32, #tpu.memory_space<vmem>>, vector<16xf32>,
    %get3A_130 = arith.constant 160 : index
    %get3A_131 = tpu.vector_load %arg6[%get3A_130] {strides = array<i32>} : memref<512xf32, #tpu.memory_space<vmem>>, vector<16xf32>,
    %get3A_132 = vector.shape_cast %get3A_131 : vector<16xf32> to vector<16xf32>
    %mul3A_133 = arith.constant 0.693147182 : f32
    %mul3A_134 = vector.broadcast %mul3A_133 : f32 to vector<16xf32>
    %mul3A_135 = arith.mulf %get3A_132, %mul3A_134 : vector<16xf32>
    %exp3A_136 = math.exp %mul3A_135 : vector<16xf32>
    %swap3A_137 = arith.constant 160 : index
    %swap3A_138 = tpu.vector_load %arg6[%swap3A_137] {strides = array<i32>} : memref<512xf32, #tpu.memory_space<vmem>>, vector<16xf32>,
    %swap3A_139 = vector.shape_cast %swap3A_138 : vector<16xf32> to vector<16xf32>
    %swap3A_140 = vector.shape_cast %exp3A_136 : vector<16xf32> to vector<16xf32>
    tpu.vector_store %arg6[%swap3A_137], %swap3A_140 {strides = array<i32>} : memref<512xf32, #tpu.memory_space<vmem>>, vector<16xf32>,
    %get3A_141 = arith.constant 176 : index
    %get3A_142 = tpu.vector_load %arg6[%get3A_141] {strides = array<i32>} : memref<512xf32, #tpu.memory_space<vmem>>, vector<16xf32>,
    %get3A_143 = vector.shape_cast %get3A_142 : vector<16xf32> to vector<16xf32>
    %mul3A_144 = arith.constant 0.693147182 : f32
    %mul3A_145 = vector.broadcast %mul3A_144 : f32 to vector<16xf32>
    %mul3A_146 = arith.mulf %get3A_143, %mul3A_145 : vector<16xf32>
    %exp3A_147 = math.exp %mul3A_146 : vector<16xf32>
    %swap3A_148 = arith.constant 176 : index
    %swap3A_149 = tpu.vector_load %arg6[%swap3A_148] {strides = array<i32>} : memref<512xf32, #tpu.memory_space<vmem>>, vector<16xf32>,
    %swap3A_150 = vector.shape_cast %swap3A_149 : vector<16xf32> to vector<16xf32>
    %swap3A_151 = vector.shape_cast %exp3A_147 : vector<16xf32> to vector<16xf32>
    tpu.vector_store %arg6[%swap3A_148], %swap3A_151 {strides = array<i32>} : memref<512xf32, #tpu.memory_space<vmem>>, vector<16xf32>,
    %get3A_152 = arith.constant 192 : index
    %get3A_153 = tpu.vector_load %arg6[%get3A_152] {strides = array<i32>} : memref<512xf32, #tpu.memory_space<vmem>>, vector<16xf32>,
    %get3A_154 = vector.shape_cast %get3A_153 : vector<16xf32> to vector<16xf32>
    %mul3A_155 = arith.constant 0.693147182 : f32
    %mul3A_156 = vector.broadcast %mul3A_155 : f32 to vector<16xf32>
    %mul3A_157 = arith.mulf %get3A_154, %mul3A_156 : vector<16xf32>
    %exp3A_158 = math.exp %mul3A_157 : vector<16xf32>
    %swap3A_159 = arith.constant 192 : index
    %swap3A_160 = tpu.vector_load %arg6[%swap3A_159] {strides = array<i32>} : memref<512xf32, #tpu.memory_space<vmem>>, vector<16xf32>,
    %swap3A_161 = vector.shape_cast %swap3A_160 : vector<16xf32> to vector<16xf32>
    %swap3A_162 = vector.shape_cast %exp3A_158 : vector<16xf32> to vector<16xf32>
    tpu.vector_store %arg6[%swap3A_159], %swap3A_162 {strides = array<i32>} : memref<512xf32, #tpu.memory_space<vmem>>, vector<16xf32>,
    %get3A_163 = arith.constant 208 : index
    %get3A_164 = tpu.vector_load %arg6[%get3A_163] {strides = array<i32>} : memref<512xf32, #tpu.memory_space<vmem>>, vector<16xf32>,
    %get3A_165 = vector.shape_cast %get3A_164 : vector<16xf32> to vector<16xf32>
    %mul3A_166 = arith.constant 0.693147182 : f32
    %mul3A_167 = vector.broadcast %mul3A_166 : f32 to vector<16xf32>
    %mul3A_168 = arith.mulf %get3A_165, %mul3A_167 : vector<16xf32>
    %exp3A_169 = math.exp %mul3A_168 : vector<16xf32>
    %swap3A_170 = arith.constant 208 : index
    %swap3A_171 = tpu.vector_load %arg6[%swap3A_170] {strides = array<i32>} : memref<512xf32, #tpu.memory_space<vmem>>, vector<16xf32>,
    %swap3A_172 = vector.shape_cast %swap3A_171 : vector<16xf32> to vector<16xf32>
    %swap3A_173 = vector.shape_cast %exp3A_169 : vector<16xf32> to vector<16xf32>
    tpu.vector_store %arg6[%swap3A_170], %swap3A_173 {strides = array<i32>} : memref<512xf32, #tpu.memory_space<vmem>>, vector<16xf32>,
    %get3A_174 = arith.constant 224 : index
    %get3A_175 = tpu.vector_load %arg6[%get3A_174] {strides = array<i32>} : memref<512xf32, #tpu.memory_space<vmem>>, vector<16xf32>,
    %get3A_176 = vector.shape_cast %get3A_175 : vector<16xf32> to vector<16xf32>
    %mul3A_177 = arith.constant 0.693147182 : f32
    %mul3A_178 = vector.broadcast %mul3A_177 : f32 to vector<16xf32>
    %mul3A_179 = arith.mulf %get3A_176, %mul3A_178 : vector<16xf32>
    %exp3A_180 = math.exp %mul3A_179 : vector<16xf32>
    %swap3A_181 = arith.constant 224 : index
    %swap3A_182 = tpu.vector_load %arg6[%swap3A_181] {strides = array<i32>} : memref<512xf32, #tpu.memory_space<vmem>>, vector<16xf32>,
    %swap3A_183 = vector.shape_cast %swap3A_182 : vector<16xf32> to vector<16xf32>
    %swap3A_184 = vector.shape_cast %exp3A_180 : vector<16xf32> to vector<16xf32>
    tpu.vector_store %arg6[%swap3A_181], %swap3A_184 {strides = array<i32>} : memref<512xf32, #tpu.memory_space<vmem>>, vector<16xf32>,
    %get3A_185 = arith.constant 240 : index
    %get3A_186 = tpu.vector_load %arg6[%get3A_185] {strides = array<i32>} : memref<512xf32, #tpu.memory_space<vmem>>, vector<16xf32>,
    %get3A_187 = vector.shape_cast %get3A_186 : vector<16xf32> to vector<16xf32>
    %mul3A_188 = arith.constant 0.693147182 : f32
    %mul3A_189 = vector.broadcast %mul3A_188 : f32 to vector<16xf32>
    %mul3A_190 = arith.mulf %get3A_187, %mul3A_189 : vector<16xf32>
    %exp3A_191 = math.exp %mul3A_190 : vector<16xf32>
    %swap3A_192 = arith.constant 240 : index
    %swap3A_193 = tpu.vector_load %arg6[%swap3A_192] {strides = array<i32>} : memref<512xf32, #tpu.memory_space<vmem>>, vector<16xf32>,
    %swap3A_194 = vector.shape_cast %swap3A_193 : vector<16xf32> to vector<16xf32>
    %swap3A_195 = vector.shape_cast %exp3A_191 : vector<16xf32> to vector<16xf32>
    tpu.vector_store %arg6[%swap3A_192], %swap3A_195 {strides = array<i32>} : memref<512xf32, #tpu.memory_space<vmem>>, vector<16xf32>,
    %add3A_196 = arith.constant 0 : i32
    %add3A_197 = arith.addi %mul3A_2, %add3A_196 : i32
    %dma_start3A_198 = arith.constant 0 : i32
    %dma_start3A_199 = tpu.memref_slice %arg6[%dma_start3A_198] : memref<512xf32, #tpu.memory_space<vmem>> -> memref<256xf32, #tpu.memory_space<vmem>>
    %dma_start3A_200 = tpu.memref_slice %arg4[%add3A_197] : memref<16384xf32, #tpu.memory_space<hbm>> -> memref<256xf32, #tpu.memory_space<hbm>>
    %dma_start3A_201 = tpu.memref_slice %arg4[%add3A_197] : memref<16384xf32, #tpu.memory_space<hbm>> -> memref<256xf32, #tpu.memory_space<hbm>>
    %dma_start3A_202 = arith.constant 0 : i32
    %dma_start3A_203 = tpu.memref_slice %arg6[%dma_start3A_202] : memref<512xf32, #tpu.memory_space<vmem>> -> memref<256xf32, #tpu.memory_space<vmem>>
    tpu.enqueue_dma source(%dma_start3A_203 : memref<256xf32, #tpu.memory_space<vmem>>) target(%dma_start3A_201 : memref<256xf32, #tpu.memory_space<hbm>>) target_semaphore(%arg10 : memref<!tpu.dma_semaphore, #tpu.memory_space<semaphore_mem>>)
    %dma_wait3A_204 = arith.constant 256 : i32
    %dma_wait3A_205 = tpu.memref_slice %arg6[%dma_wait3A_204] : memref<512xf32, #tpu.memory_space<vmem>> -> memref<256xf32, #tpu.memory_space<vmem>>
    %dma_wait3A_206 = arith.constant 256 : i32
    %dma_wait3A_207 = tpu.memref_slice %arg5[%dma_wait3A_206] : memref<512xi32, #tpu.memory_space<vmem>> -> memref<256xi32, #tpu.memory_space<vmem>>
    %dma_wait3A_208 = arith.constant 0 : i32
    %dma_wait3A_209 = tpu.memref_slice %arg3[%dma_wait3A_208] : memref<100000xf32, #tpu.memory_space<hbm>> -> memref<100000xf32, #tpu.memory_space<hbm>>
    tpu.wait_indirect_dma semaphore(%arg9 : memref<!tpu.dma_semaphore, #tpu.memory_space<semaphore_mem>>) src(%dma_wait3A_209 : memref<100000xf32, #tpu.memory_space<hbm>>) dst(%dma_wait3A_205 : memref<256xf32, #tpu.memory_space<vmem>>)
    %get3A_210 = arith.constant 256 : index
    %get3A_211 = tpu.vector_load %arg6[%get3A_210] {strides = array<i32>} : memref<512xf32, #tpu.memory_space<vmem>>, vector<16xf32>,
    %get3A_212 = vector.shape_cast %get3A_211 : vector<16xf32> to vector<16xf32>
    %mul3A_213 = arith.constant 0.693147182 : f32
    %mul3A_214 = vector.broadcast %mul3A_213 : f32 to vector<16xf32>
    %mul3A_215 = arith.mulf %get3A_212, %mul3A_214 : vector<16xf32>
    %exp3A_216 = math.exp %mul3A_215 : vector<16xf32>
    %swap3A_217 = arith.constant 256 : index
    %swap3A_218 = tpu.vector_load %arg6[%swap3A_217] {strides = array<i32>} : memref<512xf32, #tpu.memory_space<vmem>>, vector<16xf32>,
    %swap3A_219 = vector.shape_cast %swap3A_218 : vector<16xf32> to vector<16xf32>
    %swap3A_220 = vector.shape_cast %exp3A_216 : vector<16xf32> to vector<16xf32>
    tpu.vector_store %arg6[%swap3A_217], %swap3A_220 {strides = array<i32>} : memref<512xf32, #tpu.memory_space<vmem>>, vector<16xf32>,
    %get3A_221 = arith.constant 272 : index
    %get3A_222 = tpu.vector_load %arg6[%get3A_221] {strides = array<i32>} : memref<512xf32, #tpu.memory_space<vmem>>, vector<16xf32>,
    %get3A_223 = vector.shape_cast %get3A_222 : vector<16xf32> to vector<16xf32>
    %mul3A_224 = arith.constant 0.693147182 : f32
    %mul3A_225 = vector.broadcast %mul3A_224 : f32 to vector<16xf32>
    %mul3A_226 = arith.mulf %get3A_223, %mul3A_225 : vector<16xf32>
    %exp3A_227 = math.exp %mul3A_226 : vector<16xf32>
    %swap3A_228 = arith.constant 272 : index
    %swap3A_229 = tpu.vector_load %arg6[%swap3A_228] {strides = array<i32>} : memref<512xf32, #tpu.memory_space<vmem>>, vector<16xf32>,
    %swap3A_230 = vector.shape_cast %swap3A_229 : vector<16xf32> to vector<16xf32>
    %swap3A_231 = vector.shape_cast %exp3A_227 : vector<16xf32> to vector<16xf32>
    tpu.vector_store %arg6[%swap3A_228], %swap3A_231 {strides = array<i32>} : memref<512xf32, #tpu.memory_space<vmem>>, vector<16xf32>,
    %get3A_232 = arith.constant 288 : index
    %get3A_233 = tpu.vector_load %arg6[%get3A_232] {strides = array<i32>} : memref<512xf32, #tpu.memory_space<vmem>>, vector<16xf32>,
    %get3A_234 = vector.shape_cast %get3A_233 : vector<16xf32> to vector<16xf32>
    %mul3A_235 = arith.constant 0.693147182 : f32
    %mul3A_236 = vector.broadcast %mul3A_235 : f32 to vector<16xf32>
    %mul3A_237 = arith.mulf %get3A_234, %mul3A_236 : vector<16xf32>
    %exp3A_238 = math.exp %mul3A_237 : vector<16xf32>
    %swap3A_239 = arith.constant 288 : index
    %swap3A_240 = tpu.vector_load %arg6[%swap3A_239] {strides = array<i32>} : memref<512xf32, #tpu.memory_space<vmem>>, vector<16xf32>,
    %swap3A_241 = vector.shape_cast %swap3A_240 : vector<16xf32> to vector<16xf32>
    %swap3A_242 = vector.shape_cast %exp3A_238 : vector<16xf32> to vector<16xf32>
    tpu.vector_store %arg6[%swap3A_239], %swap3A_242 {strides = array<i32>} : memref<512xf32, #tpu.memory_space<vmem>>, vector<16xf32>,
    %get3A_243 = arith.constant 304 : index
    %get3A_244 = tpu.vector_load %arg6[%get3A_243] {strides = array<i32>} : memref<512xf32, #tpu.memory_space<vmem>>, vector<16xf32>,
    %get3A_245 = vector.shape_cast %get3A_244 : vector<16xf32> to vector<16xf32>
    %mul3A_246 = arith.constant 0.693147182 : f32
    %mul3A_247 = vector.broadcast %mul3A_246 : f32 to vector<16xf32>
    %mul3A_248 = arith.mulf %get3A_245, %mul3A_247 : vector<16xf32>
    %exp3A_249 = math.exp %mul3A_248 : vector<16xf32>
    %swap3A_250 = arith.constant 304 : index
    %swap3A_251 = tpu.vector_load %arg6[%swap3A_250] {strides = array<i32>} : memref<512xf32, #tpu.memory_space<vmem>>, vector<16xf32>,
    %swap3A_252 = vector.shape_cast %swap3A_251 : vector<16xf32> to vector<16xf32>
    %swap3A_253 = vector.shape_cast %exp3A_249 : vector<16xf32> to vector<16xf32>
    tpu.vector_store %arg6[%swap3A_250], %swap3A_253 {strides = array<i32>} : memref<512xf32, #tpu.memory_space<vmem>>, vector<16xf32>,
    %get3A_254 = arith.constant 320 : index
    %get3A_255 = tpu.vector_load %arg6[%get3A_254] {strides = array<i32>} : memref<512xf32, #tpu.memory_space<vmem>>, vector<16xf32>,
    %get3A_256 = vector.shape_cast %get3A_255 : vector<16xf32> to vector<16xf32>
    %mul3A_257 = arith.constant 0.693147182 : f32
    %mul3A_258 = vector.broadcast %mul3A_257 : f32 to vector<16xf32>
    %mul3A_259 = arith.mulf %get3A_256, %mul3A_258 : vector<16xf32>
    %exp3A_260 = math.exp %mul3A_259 : vector<16xf32>
    %swap3A_261 = arith.constant 320 : index
    %swap3A_262 = tpu.vector_load %arg6[%swap3A_261] {strides = array<i32>} : memref<512xf32, #tpu.memory_space<vmem>>, vector<16xf32>,
    %swap3A_263 = vector.shape_cast %swap3A_262 : vector<16xf32> to vector<16xf32>
    %swap3A_264 = vector.shape_cast %exp3A_260 : vector<16xf32> to vector<16xf32>
    tpu.vector_store %arg6[%swap3A_261], %swap3A_264 {strides = array<i32>} : memref<512xf32, #tpu.memory_space<vmem>>, vector<16xf32>,
    %get3A_265 = arith.constant 336 : index
    %get3A_266 = tpu.vector_load %arg6[%get3A_265] {strides = array<i32>} : memref<512xf32, #tpu.memory_space<vmem>>, vector<16xf32>,
    %get3A_267 = vector.shape_cast %get3A_266 : vector<16xf32> to vector<16xf32>
    %mul3A_268 = arith.constant 0.693147182 : f32
    %mul3A_269 = vector.broadcast %mul3A_268 : f32 to vector<16xf32>
    %mul3A_270 = arith.mulf %get3A_267, %mul3A_269 : vector<16xf32>
    %exp3A_271 = math.exp %mul3A_270 : vector<16xf32>
    %swap3A_272 = arith.constant 336 : index
    %swap3A_273 = tpu.vector_load %arg6[%swap3A_272] {strides = array<i32>} : memref<512xf32, #tpu.memory_space<vmem>>, vector<16xf32>,
    %swap3A_274 = vector.shape_cast %swap3A_273 : vector<16xf32> to vector<16xf32>
    %swap3A_275 = vector.shape_cast %exp3A_271 : vector<16xf32> to vector<16xf32>
    tpu.vector_store %arg6[%swap3A_272], %swap3A_275 {strides = array<i32>} : memref<512xf32, #tpu.memory_space<vmem>>, vector<16xf32>,
    %get3A_276 = arith.constant 352 : index
    %get3A_277 = tpu.vector_load %arg6[%get3A_276] {strides = array<i32>} : memref<512xf32, #tpu.memory_space<vmem>>, vector<16xf32>,
    %get3A_278 = vector.shape_cast %get3A_277 : vector<16xf32> to vector<16xf32>
    %mul3A_279 = arith.constant 0.693147182 : f32
    %mul3A_280 = vector.broadcast %mul3A_279 : f32 to vector<16xf32>
    %mul3A_281 = arith.mulf %get3A_278, %mul3A_280 : vector<16xf32>
    %exp3A_282 = math.exp %mul3A_281 : vector<16xf32>
    %swap3A_283 = arith.constant 352 : index
    %swap3A_284 = tpu.vector_load %arg6[%swap3A_283] {strides = array<i32>} : memref<512xf32, #tpu.memory_space<vmem>>, vector<16xf32>,
    %swap3A_285 = vector.shape_cast %swap3A_284 : vector<16xf32> to vector<16xf32>
    %swap3A_286 = vector.shape_cast %exp3A_282 : vector<16xf32> to vector<16xf32>
    tpu.vector_store %arg6[%swap3A_283], %swap3A_286 {strides = array<i32>} : memref<512xf32, #tpu.memory_space<vmem>>, vector<16xf32>,
    %get3A_287 = arith.constant 368 : index
    %get3A_288 = tpu.vector_load %arg6[%get3A_287] {strides = array<i32>} : memref<512xf32, #tpu.memory_space<vmem>>, vector<16xf32>,
    %get3A_289 = vector.shape_cast %get3A_288 : vector<16xf32> to vector<16xf32>
    %mul3A_290 = arith.constant 0.693147182 : f32
    %mul3A_291 = vector.broadcast %mul3A_290 : f32 to vector<16xf32>
    %mul3A_292 = arith.mulf %get3A_289, %mul3A_291 : vector<16xf32>
    %exp3A_293 = math.exp %mul3A_292 : vector<16xf32>
    %swap3A_294 = arith.constant 368 : index
    %swap3A_295 = tpu.vector_load %arg6[%swap3A_294] {strides = array<i32>} : memref<512xf32, #tpu.memory_space<vmem>>, vector<16xf32>,
    %swap3A_296 = vector.shape_cast %swap3A_295 : vector<16xf32> to vector<16xf32>
    %swap3A_297 = vector.shape_cast %exp3A_293 : vector<16xf32> to vector<16xf32>
    tpu.vector_store %arg6[%swap3A_294], %swap3A_297 {strides = array<i32>} : memref<512xf32, #tpu.memory_space<vmem>>, vector<16xf32>,
    %get3A_298 = arith.constant 384 : index
    %get3A_299 = tpu.vector_load %arg6[%get3A_298] {strides = array<i32>} : memref<512xf32, #tpu.memory_space<vmem>>, vector<16xf32>,
    %get3A_300 = vector.shape_cast %get3A_299 : vector<16xf32> to vector<16xf32>
    %mul3A_301 = arith.constant 0.693147182 : f32
    %mul3A_302 = vector.broadcast %mul3A_301 : f32 to vector<16xf32>
    %mul3A_303 = arith.mulf %get3A_300, %mul3A_302 : vector<16xf32>
    %exp3A_304 = math.exp %mul3A_303 : vector<16xf32>
    %swap3A_305 = arith.constant 384 : index
    %swap3A_306 = tpu.vector_load %arg6[%swap3A_305] {strides = array<i32>} : memref<512xf32, #tpu.memory_space<vmem>>, vector<16xf32>,
    %swap3A_307 = vector.shape_cast %swap3A_306 : vector<16xf32> to vector<16xf32>
    %swap3A_308 = vector.shape_cast %exp3A_304 : vector<16xf32> to vector<16xf32>
    tpu.vector_store %arg6[%swap3A_305], %swap3A_308 {strides = array<i32>} : memref<512xf32, #tpu.memory_space<vmem>>, vector<16xf32>,
    %get3A_309 = arith.constant 400 : index
    %get3A_310 = tpu.vector_load %arg6[%get3A_309] {strides = array<i32>} : memref<512xf32, #tpu.memory_space<vmem>>, vector<16xf32>,
    %get3A_311 = vector.shape_cast %get3A_310 : vector<16xf32> to vector<16xf32>
    %mul3A_312 = arith.constant 0.693147182 : f32
    %mul3A_313 = vector.broadcast %mul3A_312 : f32 to vector<16xf32>
    %mul3A_314 = arith.mulf %get3A_311, %mul3A_313 : vector<16xf32>
    %exp3A_315 = math.exp %mul3A_314 : vector<16xf32>
    %swap3A_316 = arith.constant 400 : index
    %swap3A_317 = tpu.vector_load %arg6[%swap3A_316] {strides = array<i32>} : memref<512xf32, #tpu.memory_space<vmem>>, vector<16xf32>,
    %swap3A_318 = vector.shape_cast %swap3A_317 : vector<16xf32> to vector<16xf32>
    %swap3A_319 = vector.shape_cast %exp3A_315 : vector<16xf32> to vector<16xf32>
    tpu.vector_store %arg6[%swap3A_316], %swap3A_319 {strides = array<i32>} : memref<512xf32, #tpu.memory_space<vmem>>, vector<16xf32>,
    %get3A_320 = arith.constant 416 : index
    %get3A_321 = tpu.vector_load %arg6[%get3A_320] {strides = array<i32>} : memref<512xf32, #tpu.memory_space<vmem>>, vector<16xf32>,
    %get3A_322 = vector.shape_cast %get3A_321 : vector<16xf32> to vector<16xf32>
    %mul3A_323 = arith.constant 0.693147182 : f32
    %mul3A_324 = vector.broadcast %mul3A_323 : f32 to vector<16xf32>
    %mul3A_325 = arith.mulf %get3A_322, %mul3A_324 : vector<16xf32>
    %exp3A_326 = math.exp %mul3A_325 : vector<16xf32>
    %swap3A_327 = arith.constant 416 : index
    %swap3A_328 = tpu.vector_load %arg6[%swap3A_327] {strides = array<i32>} : memref<512xf32, #tpu.memory_space<vmem>>, vector<16xf32>,
    %swap3A_329 = vector.shape_cast %swap3A_328 : vector<16xf32> to vector<16xf32>
    %swap3A_330 = vector.shape_cast %exp3A_326 : vector<16xf32> to vector<16xf32>
    tpu.vector_store %arg6[%swap3A_327], %swap3A_330 {strides = array<i32>} : memref<512xf32, #tpu.memory_space<vmem>>, vector<16xf32>,
    %get3A_331 = arith.constant 432 : index
    %get3A_332 = tpu.vector_load %arg6[%get3A_331] {strides = array<i32>} : memref<512xf32, #tpu.memory_space<vmem>>, vector<16xf32>,
    %get3A_333 = vector.shape_cast %get3A_332 : vector<16xf32> to vector<16xf32>
    %mul3A_334 = arith.constant 0.693147182 : f32
    %mul3A_335 = vector.broadcast %mul3A_334 : f32 to vector<16xf32>
    %mul3A_336 = arith.mulf %get3A_333, %mul3A_335 : vector<16xf32>
    %exp3A_337 = math.exp %mul3A_336 : vector<16xf32>
    %swap3A_338 = arith.constant 432 : index
    %swap3A_339 = tpu.vector_load %arg6[%swap3A_338] {strides = array<i32>} : memref<512xf32, #tpu.memory_space<vmem>>, vector<16xf32>,
    %swap3A_340 = vector.shape_cast %swap3A_339 : vector<16xf32> to vector<16xf32>
    %swap3A_341 = vector.shape_cast %exp3A_337 : vector<16xf32> to vector<16xf32>
    tpu.vector_store %arg6[%swap3A_338], %swap3A_341 {strides = array<i32>} : memref<512xf32, #tpu.memory_space<vmem>>, vector<16xf32>,
    %get3A_342 = arith.constant 448 : index
    %get3A_343 = tpu.vector_load %arg6[%get3A_342] {strides = array<i32>} : memref<512xf32, #tpu.memory_space<vmem>>, vector<16xf32>,
    %get3A_344 = vector.shape_cast %get3A_343 : vector<16xf32> to vector<16xf32>
    %mul3A_345 = arith.constant 0.693147182 : f32
    %mul3A_346 = vector.broadcast %mul3A_345 : f32 to vector<16xf32>
    %mul3A_347 = arith.mulf %get3A_344, %mul3A_346 : vector<16xf32>
    %exp3A_348 = math.exp %mul3A_347 : vector<16xf32>
    %swap3A_349 = arith.constant 448 : index
    %swap3A_350 = tpu.vector_load %arg6[%swap3A_349] {strides = array<i32>} : memref<512xf32, #tpu.memory_space<vmem>>, vector<16xf32>,
    %swap3A_351 = vector.shape_cast %swap3A_350 : vector<16xf32> to vector<16xf32>
    %swap3A_352 = vector.shape_cast %exp3A_348 : vector<16xf32> to vector<16xf32>
    tpu.vector_store %arg6[%swap3A_349], %swap3A_352 {strides = array<i32>} : memref<512xf32, #tpu.memory_space<vmem>>, vector<16xf32>,
    %get3A_353 = arith.constant 464 : index
    %get3A_354 = tpu.vector_load %arg6[%get3A_353] {strides = array<i32>} : memref<512xf32, #tpu.memory_space<vmem>>, vector<16xf32>,
    %get3A_355 = vector.shape_cast %get3A_354 : vector<16xf32> to vector<16xf32>
    %mul3A_356 = arith.constant 0.693147182 : f32
    %mul3A_357 = vector.broadcast %mul3A_356 : f32 to vector<16xf32>
    %mul3A_358 = arith.mulf %get3A_355, %mul3A_357 : vector<16xf32>
    %exp3A_359 = math.exp %mul3A_358 : vector<16xf32>
    %swap3A_360 = arith.constant 464 : index
    %swap3A_361 = tpu.vector_load %arg6[%swap3A_360] {strides = array<i32>} : memref<512xf32, #tpu.memory_space<vmem>>, vector<16xf32>,
    %swap3A_362 = vector.shape_cast %swap3A_361 : vector<16xf32> to vector<16xf32>
    %swap3A_363 = vector.shape_cast %exp3A_359 : vector<16xf32> to vector<16xf32>
    tpu.vector_store %arg6[%swap3A_360], %swap3A_363 {strides = array<i32>} : memref<512xf32, #tpu.memory_space<vmem>>, vector<16xf32>,
    %get3A_364 = arith.constant 480 : index
    %get3A_365 = tpu.vector_load %arg6[%get3A_364] {strides = array<i32>} : memref<512xf32, #tpu.memory_space<vmem>>, vector<16xf32>,
    %get3A_366 = vector.shape_cast %get3A_365 : vector<16xf32> to vector<16xf32>
    %mul3A_367 = arith.constant 0.693147182 : f32
    %mul3A_368 = vector.broadcast %mul3A_367 : f32 to vector<16xf32>
    %mul3A_369 = arith.mulf %get3A_366, %mul3A_368 : vector<16xf32>
    %exp3A_370 = math.exp %mul3A_369 : vector<16xf32>
    %swap3A_371 = arith.constant 480 : index
    %swap3A_372 = tpu.vector_load %arg6[%swap3A_371] {strides = array<i32>} : memref<512xf32, #tpu.memory_space<vmem>>, vector<16xf32>,
    %swap3A_373 = vector.shape_cast %swap3A_372 : vector<16xf32> to vector<16xf32>
    %swap3A_374 = vector.shape_cast %exp3A_370 : vector<16xf32> to vector<16xf32>
    tpu.vector_store %arg6[%swap3A_371], %swap3A_374 {strides = array<i32>} : memref<512xf32, #tpu.memory_space<vmem>>, vector<16xf32>,
    %get3A_375 = arith.constant 496 : index
    %get3A_376 = tpu.vector_load %arg6[%get3A_375] {strides = array<i32>} : memref<512xf32, #tpu.memory_space<vmem>>, vector<16xf32>,
    %get3A_377 = vector.shape_cast %get3A_376 : vector<16xf32> to vector<16xf32>
    %mul3A_378 = arith.constant 0.693147182 : f32
    %mul3A_379 = vector.broadcast %mul3A_378 : f32 to vector<16xf32>
    %mul3A_380 = arith.mulf %get3A_377, %mul3A_379 : vector<16xf32>
    %exp3A_381 = math.exp %mul3A_380 : vector<16xf32>
    %swap3A_382 = arith.constant 496 : index
    %swap3A_383 = tpu.vector_load %arg6[%swap3A_382] {strides = array<i32>} : memref<512xf32, #tpu.memory_space<vmem>>, vector<16xf32>,
    %swap3A_384 = vector.shape_cast %swap3A_383 : vector<16xf32> to vector<16xf32>
    %swap3A_385 = vector.shape_cast %exp3A_381 : vector<16xf32> to vector<16xf32>
    tpu.vector_store %arg6[%swap3A_382], %swap3A_385 {strides = array<i32>} : memref<512xf32, #tpu.memory_space<vmem>>, vector<16xf32>,
    %add3A_386 = arith.constant 256 : i32
    %add3A_387 = arith.addi %mul3A_2, %add3A_386 : i32
    %dma_start3A_388 = arith.constant 256 : i32
    %dma_start3A_389 = tpu.memref_slice %arg6[%dma_start3A_388] : memref<512xf32, #tpu.memory_space<vmem>> -> memref<256xf32, #tpu.memory_space<vmem>>
    %dma_start3A_390 = tpu.memref_slice %arg4[%add3A_387] : memref<16384xf32, #tpu.memory_space<hbm>> -> memref<256xf32, #tpu.memory_space<hbm>>
    %dma_start3A_391 = tpu.memref_slice %arg4[%add3A_387] : memref<16384xf32, #tpu.memory_space<hbm>> -> memref<256xf32, #tpu.memory_space<hbm>>
    %dma_start3A_392 = arith.constant 256 : i32
    %dma_start3A_393 = tpu.memref_slice %arg6[%dma_start3A_392] : memref<512xf32, #tpu.memory_space<vmem>> -> memref<256xf32, #tpu.memory_space<vmem>>
    tpu.enqueue_dma source(%dma_start3A_393 : memref<256xf32, #tpu.memory_space<vmem>>) target(%dma_start3A_391 : memref<256xf32, #tpu.memory_space<hbm>>) target_semaphore(%arg10 : memref<!tpu.dma_semaphore, #tpu.memory_space<semaphore_mem>>)
    %add3A_394 = arith.constant 0 : i32
    %add3A_395 = arith.addi %mul3A_2, %add3A_394 : i32
    %dma_wait3A_396 = arith.constant 0 : i32
    %dma_wait3A_397 = tpu.memref_slice %arg6[%dma_wait3A_396] : memref<512xf32, #tpu.memory_space<vmem>> -> memref<256xf32, #tpu.memory_space<vmem>>
    %dma_wait3A_398 = tpu.memref_slice %arg4[%add3A_395] : memref<16384xf32, #tpu.memory_space<hbm>> -> memref<256xf32, #tpu.memory_space<hbm>>
    %dma_wait3A_399 = tpu.memref_slice %arg4[%add3A_395] : memref<16384xf32, #tpu.memory_space<hbm>> -> memref<256xf32, #tpu.memory_space<hbm>>
    %dma_wait3A_400 = arith.constant 0 : i32
    %dma_wait3A_401 = tpu.memref_slice %arg6[%dma_wait3A_400] : memref<512xf32, #tpu.memory_space<vmem>> -> memref<256xf32, #tpu.memory_space<vmem>>
    tpu.wait_dma2 semaphore(%arg10 : memref<!tpu.dma_semaphore, #tpu.memory_space<semaphore_mem>>) src(%dma_wait3A_401 : memref<256xf32, #tpu.memory_space<vmem>>) dst(%dma_wait3A_399 : memref<256xf32, #tpu.memory_space<hbm>>)
    %add3A_402 = arith.constant 256 : i32
    %add3A_403 = arith.addi %mul3A_2, %add3A_402 : i32
    %dma_wait3A_404 = arith.constant 256 : i32
    %dma_wait3A_405 = tpu.memref_slice %arg6[%dma_wait3A_404] : memref<512xf32, #tpu.memory_space<vmem>> -> memref<256xf32, #tpu.memory_space<vmem>>
    %dma_wait3A_406 = tpu.memref_slice %arg4[%add3A_403] : memref<16384xf32, #tpu.memory_space<hbm>> -> memref<256xf32, #tpu.memory_space<hbm>>
    %dma_wait3A_407 = tpu.memref_slice %arg4[%add3A_403] : memref<16384xf32, #tpu.memory_space<hbm>> -> memref<256xf32, #tpu.memory_space<hbm>>
    %dma_wait3A_408 = arith.constant 256 : i32
    %dma_wait3A_409 = tpu.memref_slice %arg6[%dma_wait3A_408] : memref<512xf32, #tpu.memory_space<vmem>> -> memref<256xf32, #tpu.memory_space<vmem>>
    tpu.wait_dma2 semaphore(%arg10 : memref<!tpu.dma_semaphore, #tpu.memory_space<semaphore_mem>>) src(%dma_wait3A_409 : memref<256xf32, #tpu.memory_space<vmem>>) dst(%dma_wait3A_407 : memref<256xf32, #tpu.memory_space<hbm>>)
    return
  }
}

</mosaic_0001>

<sc_bundles>
// kernel: kernel.3.cloned.1.call-start
scs
__scs_entry_jumppad:
0x0: {  	(pc) =	sbr.rel $0x88, $3  }
0x1: {  	(tag) =	ssettag $0x0;
	lr =	simm.s32 $0x1  }
0x2: {  	[smem:$0x3F9F] =	sst lr;
	_ =	strace $0xD0000000  }
0x3: {  	_ = 	snop  }
0x4: {  	_ = 	snop  }
0x5: {  	_ = 	snop  }
0x6: {  	_ = 	snop  }
0x7: {  	_ = 	snop  }
__scs_overlays_trampoline_lowered:
0x8: {  	[smem:$0x3FAE] =	sst s0  }
0x9: {  	[smem:$0x3FAF] =	sst s1  }
0xa: {  	[smem:$0x3FB0] =	sst s2  }
0xb: {  	[smem:$0x3FB1] =	sst s3  }
0xc: {  	[smem:$0x3FB2] =	sst s4  }
0xd: {  	[smem:$0x3FB3] =	sst s5  }
0xe: {  	[smem:$0x3FB4] =	sst s6  }
0xf: {  	[smem:$0x3FB5] =	sst s7  }
0x10: {  	[smem:$0x3FB6] =	sst s8  }
0x11: {  	[smem:$0x3FB7] =	sst s9;
	s0 =	simm.s32 @!p0 $0x0  }
0x12: {  	s1 =	sld [smem:$0x3F9D];
	s0 =	simm.s32 @p0 $0x1  }
0x13: {  	[smem:$0x3FB8] =	sst s0;
	s0 =	simm.s32 @!p1 $0x0  }
0x14: {  	s2 =	sld [smem:$0x3F9C];
	s0 =	simm.s32 @p1 $0x1  }
0x15: {  	[smem:$0x3FB9] =	sst s0;
	s0 =	simm.s32 @!p2 $0x0  }
0x16: {  	s3 =	sld [smem:$0x3FDB];
	s0 =	simm.s32 @p2 $0x1  }
0x17: {  	s4 =	simm.s32 $0x1BF5;
	[smem:$0x3FBB] =	sst s0  }
0x18: {  	s0 =	sld [smem:$0x3F9E];
	_ =	swait.ge [sflag:s4], $0x0  }
0x19: {  	s7 =	sld [smem:$0x3F9F]  }
0x1a: {  	s8 =	sadd.s32 $0xFFFFE003, lr  }
0x1b: {  	s9 =	sadd.s32 $0xFFFFFEF7, lr;
	s5 =	simm.s32 $0xFFFFFFFF;
	p2 =	slt.u32 s8, $0xFFFFF086  }
0x1c: {  	p1 =	slt.u32 s9, $0xF7A;
	s5 =	simm.s32 @!p2 $0x0  }
0x1d: {  	s5 =	simm.s32 @p1 $0x1;
	p0 =	seq.s32 s7, s2  }
0x1e: {  	s7 =	smul.u32 @!p0 $0xF7A, s2;
	p2 =	seq.s32 @!p0 s5, $0x0  }
0x1f: {  	s9 =	smul.u32 $0xF7A, s1;
	s8 =	simm.s32 @!p0 $0x1BF5;
	p2 =	por !p2, p0  }
0x20: {  	[sflag:s8] =	ssyncset.s32 @!p0 $0xFFFFF086;
	s6 =	sadd.s32 @!p0 s3, s7;
	s7 =	simm.s32 @!p0 $0x108  }
0x21: {  	s3 =	sadd.s32 s3, s9;
	s6 =	sadd.s32 @!p0 $0x88, s6;
	s7 =	simm.s32 @p2 $0x1082  }
0x22: {  	[simem:s7], [sflag:s8] =	dma.local @!p0 [hbm:s6], $0xF7A  }
0x23: {  	s9 =	sor.u32 $0xD0000000, s2;
	s6 =	simm.s32 $0x108;
	_ =	swait.ge @!p0 [sflag:s8], $0x0  }
0x24: {  	s3 =	sadd.s32 $0x88, s3;
	s6 =	simm.s32 @!p1 $0x1082;
	[sflag:s4] =	ssyncset.s32 $0xFFFFF086  }
0x25: {  	[simem:s6], [sflag:s4] =	dma.local [hbm:s3], $0xF7A  }
0x26: {  	[smem:$0x3F9F] =	sst s1;
	(tag) =	ssettag s2;
	_ =	strace s9  }
0x27: {  	s1 =	sld [smem:$0x3FAF]  }
0x28: {  	s2 =	sld [smem:$0x3FB0]  }
0x29: {  	s4 =	sld [smem:$0x3FB2]  }
0x2a: {  	p0 =	seq.s32 s5, $0x0;
	s5 =	sld [smem:$0x3FB3]  }
0x2b: {  	s6 =	sld [smem:$0x3FB4]  }
0x2c: {  	s7 =	sld [smem:$0x3FB5]  }
0x2d: {  	s3 =	simm.s32 $0x108;
	s8 =	sld [smem:$0x3FB6]  }
0x2e: {  	s3 =	simm.s32 @!p0 $0x1082;
	s9 =	sld [smem:$0x3FB7]  }
0x2f: {  	lr =	sadd.s32 s0, s3;
	s0 =	sld [smem:$0x3FAE]  }
0x30: {  	s3 =	sld [smem:$0x3FB1]  }
0x31: {  	[smem:$0x3FBA] =	sst s10  }
0x32: {  	s10 =	sld [smem:$0x3FB8];
	_ =	sdelay $0x3  }
0x33: {  	p0 =	seq.s32 s10, $0x1;
	s10 =	sld [smem:$0x3FBA];
	_ =	sdelay $0x3  }
0x34: {  	[smem:$0x3FBA] =	sst s10  }
0x35: {  	s10 =	sld [smem:$0x3FB9];
	_ =	sdelay $0x3  }
0x36: {  	p1 =	seq.s32 s10, $0x1;
	s10 =	sld [smem:$0x3FBA];
	_ =	sdelay $0x3  }
0x37: {  	[smem:$0x3FBA] =	sst s10  }
0x38: {  	s10 =	sld [smem:$0x3FBB]  }
0x39: {  	_ = 	snop;
	(pc) =	sbr.ind lr, $3  }
0x3a: {  	_ = 	snop  }
0x3b: {  	_ = 	snop  }
0x3c: {  	p2 =	seq.s32 s10, $0x1;
	s10 =	sld [smem:$0x3FBA]  }
0x3d: {  	_ =	shalt  }
0x3e: {  	_ =	shalt  }
0x3f: {  	_ =	shalt  }
0x40: {  	_ =	shalt  }
0x41: {  	_ =	shalt  }
0x42: {  	_ =	shalt  }
0x43: {  	_ =	shalt  }
0x44: {  	_ =	shalt  }
0x45: {  	_ =	shalt  }
0x46: {  	_ =	shalt  }
0x47: {  	_ =	shalt  }
0x48: {  	_ =	shalt  }
0x49: {  	_ =	shalt  }
0x4a: {  	_ =	shalt  }
0x4b: {  	_ =	shalt  }
0x4c: {  	_ =	shalt  }
0x4d: {  	_ =	shalt  }
0x4e: {  	_ =	shalt  }
0x4f: {  	_ =	shalt  }
0x50: {  	_ =	shalt  }
0x51: {  	_ =	shalt  }
0x52: {  	_ =	shalt  }
0x53: {  	_ =	shalt  }
0x54: {  	_ =	shalt  }
0x55: {  	_ =	shalt  }
0x56: {  	_ =	shalt  }
0x57: {  	_ =	shalt  }
0x58: {  	_ =	shalt  }
0x59: {  	_ =	shalt  }
0x5a: {  	_ =	shalt  }
0x5b: {  	_ =	shalt  }
0x5c: {  	_ =	shalt  }
0x5d: {  	_ =	shalt  }
0x5e: {  	_ =	shalt  }
0x5f: {  	_ =	shalt  }
0x60: {  	_ =	shalt  }
0x61: {  	_ =	shalt  }
0x62: {  	_ =	shalt  }
0x63: {  	_ =	shalt  }
0x64: {  	_ =	shalt  }
0x65: {  	_ =	shalt  }
0x66: {  	_ =	shalt  }
0x67: {  	_ =	shalt  }
0x68: {  	_ =	shalt  }
0x69: {  	_ =	shalt  }
0x6a: {  	_ =	shalt  }
0x6b: {  	_ =	shalt  }
0x6c: {  	_ =	shalt  }
0x6d: {  	_ =	shalt  }
0x6e: {  	_ =	shalt  }
0x6f: {  	_ =	shalt  }
0x70: {  	_ =	shalt  }
0x71: {  	_ =	shalt  }
0x72: {  	_ =	shalt  }
0x73: {  	_ =	shalt  }
0x74: {  	_ =	shalt  }
0x75: {  	_ =	shalt  }
0x76: {  	_ =	shalt  }
0x77: {  	_ =	shalt  }
0x78: {  	_ =	shalt  }
0x79: {  	_ =	shalt  }
0x7a: {  	_ =	shalt  }
0x7b: {  	_ =	shalt  }
0x7c: {  	_ =	shalt  }
0x7d: {  	_ =	shalt  }
0x7e: {  	_ =	shalt  }
0x7f: {  	_ =	shalt  }
0x80: {  	_ =	shalt  }
0x81: {  	_ =	shalt  }
0x82: {  	_ =	shalt  }
0x83: {  	_ =	shalt  }
0x84: {  	_ =	shalt  }
0x85: {  	_ =	shalt  }
0x86: {  	_ =	shalt  }
0x87: {  	_ =	shalt  }
.Lfunc_end0:
.L_simem_size_0:
called_computation_lowered:
.L_overlay_start_0:
0x88: {  	s2 =	sld [smem:$0x3FD9]  }
0x89: {  	s3 =	sld [smem:$0x3FFE];
	_ =	sdelay $0x1  }
0x8a: {  	s1 =	srdreg.scid  }
0x8b: {  	s0 =	sand.u32 $0x1, s1  }
0x8c: {  	s18 =	sshll.u32 s0, $0xA;
	s2 =	sadd.s32 s3, s2  }
0x8d: {  	s2 =	sadd.s32 s2, s18  }
0x8e: {  	[smem:$0x3FC6] =	sst s2  }
0x8f: {  	_ = 	snop  }
0x90: {  	s2 =	sld [smem:$0x3FC9]  }
0x91: {  	s19 =	sld [smem:$0x3FC8]  }
0x92: {  	s4 =	sld [smem:$0x3FD0];
	(tm) =	ssettm $0x1  }
0x93: {  	s5 =	sld [smem:$0x3FFB];
	_ =	sdelay $0x3  }
0x94: {  	_ =	strace s5  }
0x95: {  	s5 =	sld [smem:$0x3FFC];
	_ =	sdelay $0x3  }
0x96: {  	_ =	strace s5  }
0x97: {  	s5 =	sld [smem:$0x3FFD];
	_ =	sdelay $0x3  }
0x98: {  	_ =	strace s5  }
0x99: {  	_ =	strace $0x8FFFFFFF  }
0x9a: {  	s20 =	sld [smem:$0x3FDB];
	_ =	sdelay $0x1  }
0x9b: {  	s6 =	simm.s32 $_scs_section_size  }
0x9c: {  	s7 =	simm.s32 $_size__tile_overlayer_lowered;
	s8 =	simm.s32 $_tile_overlayer_lowered  }
0x9d: {  	s23 =	simm.s32 $0x1BFF;
	s22 =	sshll.u32 s8, $0x1;
	s5 =	sadd.s32 s6, s20  }
0x9e: {  	s9 =	simm.s32 $0x0;
	s21 =	sshll.u32 s7, $0x1;
	s7 =	sadd.s32 s22, s5  }
0x9f: {  	[timem:s9], [sflag:s23] =	dma.local [hbm:s7], s21  }
0xa0: {  	_ =	swait.ge [sflag:s23], s21  }
0xa1: {  	s6 =	ssub.s32 $0x0, s21;
	[sflag:s23] =	ssyncset.done $0x0  }
0xa2: {  	[sflag:s23] =	ssyncadd.s32 s6;
	_ =	sdelay $0x1  }
0xa3: {  	s24 =	simm.s32 $0x1B8B  }
0xa4: {  	_ =	swait.ge [sflag:s24], $0x1  }
0xa5: {  	[sflag:s24] =	ssyncset.done $0x0  }
0xa6: {  	s25 =	simm.s32 $0x1B8E;
	[sflag:s24] =	ssyncadd.s32 $0xFFFFFFFF  }
0xa7: {  	s26 =	simm.s32 $execute0_lowered;
	[smem:$0x3FD2] =	sst s25  }
0xa8: {  	s6 =	sshll.u32 s26, $0x1;
	_ =	strace $0x80000046;
	[dreg:$0x1] =	wrdreg $0xFFFFFFFF  }
0xa9: {  	s28 =	simm.s32 $_size_execute0_lowered;
	s5 =	sadd.s32 s5, s6;
	[dreg:$0x0] =	wrdreg $0x0  }
0xaa: {  	s6 =	sshll.u32 s28, $0x1;
	[dreg:$0x2] =	wrdreg s5  }
0xab: {  	[dreg:$0x3] =	wrdreg s6  }
0xac: {  	[dreg:$0x4] =	wrdreg $0xC0  }
0xad: {  	_ =	task [dreg:s9], $0x5FFFF  }
0xae: {  	[dreg:$0x1] =	wrdreg $0xFFFFFFFF  }
0xaf: {  	[dreg:$0x0] =	wrdreg $0x60  }
0xb0: {  	[dreg:$0x2] =	wrdreg s2  }
0xb1: {  	[dreg:$0x3] =	wrdreg s19  }
0xb2: {  	[dreg:$0x4] =	wrdreg s4  }
0xb3: {  	[dreg:$0x5] =	wrdreg $0x9  }
0xb4: {  	_ =	task.clear_ibuf [dreg:s9], $0x6FFFF;
	_ =	strace $0x90000046  }
0xb5: {  	s29 =	simm.s32 $0x9;
	_ =	strace $0x80000048  }
0xb6: {  	_ =	swait.ge [sflag:s29], $0x1  }
0xb7: {  	[sflag:s29] =	ssyncadd.s32 $0xFFFFFFFF  }
0xb8: {  	_ =	strace $0x90000048  }
0xb9: {  	_ =	sfence  }
0xba: {  	s30 =	sld [smem:$0x0];
	_ =	sdelay $0x2  }
0xbb: {  	s31 =	sshll.u32 s1, $0xD;
	s1 =	sshrl.u32 s1, $0x2  }
0xbc: {  	s3 =	sand.u32 $0x4000, s31;
	s1 =	sadd.s32 s1, s30  }
0xbd: {  	s0 =	sor.u32 s3, s0;
	s1 =	sshll.u32 s1, $0x11  }
0xbe: {  	s0 =	sor.u32 s1, s0  }
0xbf: {  	s0 =	sadd.s32 $0x8F2B, s0  }
0xc0: {  	[sflag:s0] =	ssyncadd.remote.s32 $0x1  }
0xc1: {  	_ =	sfence.sel $0xFFFF  }
0xc2: {  	[dreg:$0x0] =	wrdreg $0xFFFFFFFF;
	(pc) =	sbr.abs _section_cstart, $3  }
0xc3: {  	[dreg:$0x1] =	wrdreg $0xFFFFFFFF  }
0xc4: {  	_ =	task.clear_ibuf [dreg:s9], $0x2FFFF;
	_ =	strace $0x9FFFFFFF  }
0xc5: {  	(tm) =	ssettm $0x7FFFFFFF  }
tec
execute0_lowered:
.L_overlay_start_1:
0x0: {  	(tag) =	ssettag $0x1  }
0x1: {  	s3 =	rddreg [dreg:$0x0]  }
0x2: {  	s4 =	rddreg [dreg:$0x1]  }
0x3: {  	s10 =	rddreg [dreg:$0x2];
	s2 =	srdreg.scid  }
0x4: {  	s0 =	rddreg [dreg:$0x3];
	s1 =	stileid.u32;
	s11 =	sand.u32 $0x1, s2  }
0x5: {  	s2 =	simm.s32 $0x0;
	s5 =	sshll.u32 s1, $0x7;
	s6 =	sshll.u32 s11, $0x6  }
0x6: {  	[smem:$0x7FF] =	sst s2;
	s12 =	sor.u32 s6, s5  }
0x7: {  	_ =	strace $0x80000047;
	s6 =	simm.s32 $0x1;
	s5 =	sadd.s32 s3, s12  }
0x8: {  	[tilespmem:s2], [sflag:$0x1] =	stream.linear.gather [hbm4b:s5+s2], $0x200, $0x38;
	[tilespmem:$0x400] =	vst v63  }
0x9: {  	_ =	swait.ge [sflag:s6], $0x200  }
0xa: {  	[sflag:s6] =	ssyncset.done $0x0  }
0xb: {  	s7 =	simm.s32 $0x100;
	s8 =	simm.s32 $0x200;
	[sflag:s6] =	ssyncadd.s32 $0xFFFFFE00  }
0xc: {  	[tilespmem:s8], [sflag:$0x2] =	stream.indirect.gather [hbm4b:s4+s7], $0x1, s2, s7, $0xb8;
	[tilespmem:$0x400] =	vst v63  }
0xd: {  	s9 =	simm.s32 $0x2;
	s3 =	simm.s32 $0x300  }
0xe: {  	[tilespmem:s3], [sflag:$0x3] =	stream.indirect.gather [hbm4b:s4+s7], $0x1, s7, s7, $0xb8;
	[tilespmem:$0x400] =	vst v63  }
0xf: {  	_ =	swait.ge [sflag:s9], $0x100  }
0x10: {  	[sflag:s9] =	ssyncset.done $0x0  }
0x11: {  	[sflag:s9] =	ssyncadd.s32 $0xFFFFFF00  }
0x12: {  	v0 =	vld [tilespmem:$0x2F0]  }
0x13: {  	v1 =	vld [tilespmem:$0x2E0]  }
0x14: {  	v2 =	vld [tilespmem:$0x240]  }
0x15: {  	v3 =	vld [tilespmem:$0x230]  }
0x16: {  	v4 =	vld [tilespmem:$0x210]  }
0x17: {  	v6 =	vld [tilespmem:$0x220]  }
0x18: {  	v7 =	vld [tilespmem:$0x2D0]  }
0x19: {  	v8 =	vld [tilespmem:$0x250]  }
0x1a: {  	v9 =	vld [tilespmem:$0x260]  }
0x1b: {  	v57 =	vld [tilespmem:$0x2A0]  }
0x1c: {  	v58 =	vld [tilespmem:$0x2C0];
	v0 =	vmul.f32 $6.931471820e-01, v0  }
0x1d: {  	v1 =	vmul.f32 $6.931471820e-01, v1;
	v3 =	vmul.f32 $6.931471820e-01, v3  }
0x1e: {  	v4 =	vmul.f32 $6.931471820e-01, v4;
	v2 =	vmul.f32 $6.931471820e-01, v2  }
0x1f: {  	v56 =	vmul.f32 $6.931471820e-01, v6;
	v8 =	vmul.f32 $6.931471820e-01, v8  }
0x20: {  	v5 =	vld [tilespmem:$0x200];
	v9 =	vmul.f32 $6.931471820e-01, v9;
	v7 =	vmul.f32 $6.931471820e-01, v7  }
0x21: {  	v6 =	vmul.f32 $6.931471820e-01, v57;
	v59 =	vmul.f32 $6.931471820e-01, v58  }
0x22: {  	v0 =	vmul.f32 $1.442695020e+00, v0;
	v1 =	vmul.f32 $1.442695020e+00, v1  }
0x23: {  	v10 =	vld [tilespmem:$0x270];
	v8 =	vmul.f32 $1.442695020e+00, v8;
	v7 =	vmul.f32 $1.442695020e+00, v7  }
0x24: {  	v6 =	vmul.f32 $1.442695020e+00, v6;
	v9 =	vmul.f32 $1.442695020e+00, v9  }
0x25: {  	(erf) = vpow2.f32 v0;
	v0 =	vmul.f32 $6.931471820e-01, v5  }
0x26: {  	(erf) = vpow2.f32 v1;
	v1 =	vmul.f32 $1.442695020e+00, v3  }
0x27: {  	v5 =	vmul.f32 $1.442695020e+00, v56;
	v3 =	vld [tilespmem:$0x290];
	v0 =	vmul.f32 $1.442695020e+00, v0  }
0x28: {  	v11 =	vld [tilespmem:$0x2B0];
	(erf) = vpow2.f32 v1;
	v1 =	vmul.f32 $6.931471820e-01, v10  }
0x29: {  	v4 =	vmul.f32 $1.442695020e+00, v4;
	(erf) = vpow2.f32 v0;
	v0 =	vld [tilespmem:$0x280]  }
0x2a: {  	v1 =	vmul.f32 $1.442695020e+00, v1;
	(erf) = vpow2.f32 v5  }
0x2b: {  	v5 =	vmul.f32 $1.442695020e+00, v59;
	(erf) = vpow2.f32 v6  }
0x2c: {  	v3 =	vmul.f32 $6.931471820e-01, v3;
	(erf) = vpow2.f32 v1  }
0x2d: {  	v1 =	vmul.f32 $6.931471820e-01, v11;
	(erf) = vpow2.f32 v7  }
0x2e: {  	(erf) = vpow2.f32 v4;
	v0 =	vmul.f32 $6.931471820e-01, v0  }
0x2f: {  	v60 =	vpop (erf);
	v1 =	vmul.f32 $1.442695020e+00, v1;
	(erf) = vpow2.f32 v9  }
0x30: {  	[tilespmem:$0x2F0] =	vst v60;
	v61 =	vpop (erf);
	(erf) = vpow2.f32 v5;
	v0 =	vmul.f32 $1.442695020e+00, v0  }
0x31: {  	v2 =	vmul.f32 $1.442695020e+00, v2;
	[tilespmem:$0x2E0] =	vst v61;
	v62 =	vpop (erf);
	(erf) = vpow2.f32 v8  }
0x32: {  	[tilespmem:$0x230] =	vst v62;
	v63 =	vpop (erf);
	(erf) = vpow2.f32 v1  }
0x33: {  	v1 =	vmul.f32 $1.442695020e+00, v3;
	[tilespmem:$0x200] =	vst v63;
	v3 =	vpop (erf);
	(erf) = vpow2.f32 v2  }
0x34: {  	[tilespmem:$0x220] =	vst v3;
	(erf) = vpow2.f32 v0;
	v0 =	vpop (erf)  }
0x35: {  	[tilespmem:$0x2A0] =	vst v0;
	v0 =	vpop (erf);
	(erf) = vpow2.f32 v1  }
0x36: {  	[tilespmem:$0x270] =	vst v0;
	v0 =	vpop (erf)  }
0x37: {  	[tilespmem:$0x2D0] =	vst v0;
	v0 =	vpop (erf)  }
0x38: {  	[tilespmem:$0x210] =	vst v0;
	v0 =	vpop (erf)  }
0x39: {  	[tilespmem:$0x260] =	vst v0;
	v0 =	vpop (erf)  }
0x3a: {  	[tilespmem:$0x2C0] =	vst v0;
	v0 =	vpop (erf)  }
0x3b: {  	s11 =	ssub.s32 $0x2, s11;
	[tilespmem:$0x250] =	vst v0;
	v0 =	vpop (erf)  }
0x3c: {  	s14 =	sshrl.u32 s11, $0x1;
	[tilespmem:$0x2B0] =	vst v0;
	v0 =	vpop (erf)  }
0x3d: {  	s31 =	ssub.s32 s11, s14;
	[tilespmem:$0x240] =	vst v0;
	v0 =	vpop (erf)  }
0x3e: {  	s14 =	smax.u32 s31, $0x1;
	[tilespmem:$0x280] =	vst v0;
	v0 =	vpop (erf)  }
0x3f: {  	s12 =	sadd.s32 s10, s12;
	p0 =	sne.s32 s14, $0x1;
	[tilespmem:$0x290] =	vst v0  }
0x40: {  	[hbm4b:s12+s2] =	stream.linear.scatter [tilespmem:s8], [sflag:$0x4], $0x100, $0x38;
	[tilespmem:$0x400] =	vst v63  }
.Ltmp0:
0x41: {  	s13 =	simm.s32 $0x3;
	(pc) =	sbr.rel @!p0 .LBB2_2-.Ltmp0, $4  }
0x42: {  	_ =	swait.ge [sflag:s13], $0x100  }
0x43: {  	[sflag:s13] =	ssyncset.done $0x0  }
0x44: {  	[sflag:s13] =	ssyncadd.s32 $0xFFFFFF00  }
0x45: {  	s10 =	simm.s32 $0x4;
	s11 =	sadd.s32 $0x20, s12;
	s14 =	sadd.s32 $0xFFFFFFFF, s14;
	v0 =	vld [tilespmem:$0x380]  }
.LBB2_1:
0x46: {  	p0 =	sne.s32 s14, $0x1;
	s14 =	sadd.s32 $0xFFFFFFFF, s14;
	v1 =	vld [tilespmem:$0x310]  }
0x47: {  	v2 =	vld [tilespmem:$0x320]  }
0x48: {  	v3 =	vld [tilespmem:$0x330]  }
0x49: {  	v4 =	vld [tilespmem:$0x340]  }
0x4a: {  	v5 =	vld [tilespmem:$0x350];
	v0 =	vmul.f32 $6.931471820e-01, v0  }
0x4b: {  	v1 =	vmul.f32 $6.931471820e-01, v1;
	v6 =	vld [tilespmem:$0x360]  }
0x4c: {  	v2 =	vmul.f32 $6.931471820e-01, v2;
	v7 =	vld [tilespmem:$0x370];
	v0 =	vmul.f32 $1.442695020e+00, v0  }
0x4d: {  	v8 =	vld [tilespmem:$0x300];
	v1 =	vmul.f32 $1.442695020e+00, v1;
	v3 =	vmul.f32 $6.931471820e-01, v3  }
0x4e: {  	v2 =	vmul.f32 $1.442695020e+00, v2;
	v4 =	vmul.f32 $6.931471820e-01, v4;
	v9 =	vld [tilespmem:$0x3A0]  }
0x4f: {  	v3 =	vmul.f32 $1.442695020e+00, v3;
	v5 =	vmul.f32 $6.931471820e-01, v5;
	v10 =	vld [tilespmem:$0x3D0]  }
0x50: {  	v4 =	vmul.f32 $1.442695020e+00, v4;
	v6 =	vmul.f32 $6.931471820e-01, v6;
	v11 =	vld [tilespmem:$0x390]  }
0x51: {  	v5 =	vmul.f32 $1.442695020e+00, v5;
	v7 =	vmul.f32 $6.931471820e-01, v7;
	v12 =	vld [tilespmem:$0x3B0]  }
0x52: {  	v6 =	vmul.f32 $1.442695020e+00, v6;
	v13 =	vld [tilespmem:$0x3C0];
	(erf) = vpow2.f32 v4  }
0x53: {  	v4 =	vmul.f32 $1.442695020e+00, v7;
	v7 =	vld [tilespmem:$0x3E0];
	(erf) = vpow2.f32 v5  }
0x54: {  	v5 =	vmul.f32 $6.931471820e-01, v8;
	v8 =	vld [tilespmem:$0x3F0];
	(erf) = vpow2.f32 v6  }
0x55: {  	v6 =	vmul.f32 $6.931471820e-01, v10;
	(erf) = vpow2.f32 v4  }
0x56: {  	v4 =	vmul.f32 $6.931471820e-01, v12;
	(erf) = vpow2.f32 v3  }
0x57: {  	v3 =	vmul.f32 $1.442695020e+00, v6;
	(erf) = vpow2.f32 v1  }
0x58: {  	v1 =	vmul.f32 $6.931471820e-01, v7;
	(erf) = vpow2.f32 v2  }
0x59: {  	v2 =	vmul.f32 $6.931471820e-01, v13;
	(erf) = vpow2.f32 v3  }
0x5a: {  	v3 =	vmul.f32 $6.931471820e-01, v11;
	v6 =	vmul.f32 $6.931471820e-01, v8  }
0x5b: {  	v4 =	vmul.f32 $1.442695020e+00, v4;
	v2 =	vmul.f32 $1.442695020e+00, v2;
	v7 =	vpop (erf)  }
0x5c: {  	v8 =	vmul.f32 $1.442695020e+00, v3;
	[tilespmem:$0x340] =	vst v7;
	v7 =	vpop (erf);
	(erf) = vpow2.f32 v0  }
0x5d: {  	v0 =	vmul.f32 $1.442695020e+00, v1;
	[tilespmem:$0x350] =	vst v7;
	v1 =	vpop (erf);
	(erf) = vpow2.f32 v2  }
0x5e: {  	v5 =	vmul.f32 $1.442695020e+00, v5;
	[tilespmem:$0x360] =	vst v1;
	v1 =	vpop (erf);
	(erf) = vpow2.f32 v8  }
0x5f: {  	[tilespmem:$0x370] =	vst v1;
	v1 =	vmul.f32 $6.931471820e-01, v9;
	v3 =	vpop (erf);
	(erf) = vpow2.f32 v4  }
0x60: {  	[tilespmem:$0x330] =	vst v3;
	v3 =	vmul.f32 $1.442695020e+00, v6;
	(erf) = vpow2.f32 v5;
	v2 =	vpop (erf)  }
0x61: {  	[tilespmem:$0x310] =	vst v2;
	v1 =	vmul.f32 $1.442695020e+00, v1;
	v2 =	vpop (erf);
	(erf) = vpow2.f32 v0  }
0x62: {  	[tilespmem:$0x320] =	vst v2;
	v0 =	vpop (erf);
	(erf) = vpow2.f32 v3  }
0x63: {  	[tilespmem:$0x3D0] =	vst v0;
	(erf) = vpow2.f32 v1;
	_ =	sdelay $0x1  }
0x64: {  	v0 =	vpop (erf)  }
0x65: {  	[tilespmem:$0x380] =	vst v0;
	v0 =	vpop (erf)  }
0x66: {  	[tilespmem:$0x3C0] =	vst v0;
	v0 =	vpop (erf)  }
0x67: {  	[tilespmem:$0x390] =	vst v0;
	v0 =	vpop (erf)  }
0x68: {  	[tilespmem:$0x3B0] =	vst v0;
	v0 =	vpop (erf)  }
0x69: {  	[tilespmem:$0x300] =	vst v0;
	v0 =	vpop (erf)  }
0x6a: {  	[tilespmem:$0x3E0] =	vst v0;
	v0 =	vpop (erf)  }
0x6b: {  	[tilespmem:$0x3F0] =	vst v0;
	v0 =	vpop (erf)  }
0x6c: {  	[tilespmem:$0x3A0] =	vst v0  }
0x6d: {  	[hbm4b:s11+s2] =	stream.linear.scatter [tilespmem:s3], [sflag:$0x4], $0x100, $0x38;
	[tilespmem:$0x400] =	vst v63  }
0x6e: {  	_ =	swait.ge [sflag:s10], $0x100  }
0x6f: {  	[sflag:s10] =	ssyncset.done $0x0  }
0x70: {  	[sflag:s10] =	ssyncadd.s32 $0xFFFFFF00  }
0x71: {  	_ =	swait.ge [sflag:s10], $0x100  }
0x72: {  	[sflag:s10] =	ssyncset.done $0x0  }
0x73: {  	[sflag:s10] =	ssyncadd.s32 $0xFFFFFF00;
	_ =	sdelay $0x1  }
0x74: {  	[tilespmem:s2], [sflag:$0x1] =	stream.linear.gather [hbm4b:s5+s2], $0x200, $0x38;
	[tilespmem:$0x400] =	vst v63  }
0x75: {  	_ =	swait.ge [sflag:s6], $0x200  }
0x76: {  	[sflag:s6] =	ssyncset.done $0x0  }
0x77: {  	[sflag:s6] =	ssyncadd.s32 $0xFFFFFE00  }
0x78: {  	[tilespmem:s8], [sflag:$0x2] =	stream.indirect.gather [hbm4b:s4+s7], $0x1, s2, s7, $0xb8;
	[tilespmem:$0x400] =	vst v63  }
0x79: {  	_ = 	snop  }
0x7a: {  	[tilespmem:s3], [sflag:$0x3] =	stream.indirect.gather [hbm4b:s4+s7], $0x1, s7, s7, $0xb8;
	[tilespmem:$0x400] =	vst v63  }
0x7b: {  	_ =	swait.ge [sflag:s9], $0x100  }
0x7c: {  	[sflag:s9] =	ssyncset.done $0x0  }
0x7d: {  	[sflag:s9] =	ssyncadd.s32 $0xFFFFFF00  }
0x7e: {  	v0 =	vld [tilespmem:$0x2F0]  }
0x7f: {  	v1 =	vld [tilespmem:$0x2E0]  }
0x80: {  	v2 =	vld [tilespmem:$0x240]  }
0x81: {  	v3 =	vld [tilespmem:$0x220]  }
0x82: {  	v4 =	vld [tilespmem:$0x230]  }
0x83: {  	v5 =	vld [tilespmem:$0x210];
	v0 =	vmul.f32 $6.931471820e-01, v0  }
0x84: {  	v6 =	vld [tilespmem:$0x200];
	v1 =	vmul.f32 $6.931471820e-01, v1  }
0x85: {  	v7 =	vld [tilespmem:$0x2D0];
	v0 =	vmul.f32 $1.442695020e+00, v0  }
0x86: {  	v8 =	vld [tilespmem:$0x250]  }
0x87: {  	v1 =	vmul.f32 $1.442695020e+00, v1;
	v4 =	vmul.f32 $6.931471820e-01, v4;
	v9 =	vld [tilespmem:$0x260]  }
0x88: {  	v5 =	vmul.f32 $6.931471820e-01, v5;
	v10 =	vld [tilespmem:$0x270];
	(erf) = vpow2.f32 v0  }
0x89: {  	v0 =	vmul.f32 $6.931471820e-01, v6;
	v6 =	vld [tilespmem:$0x280];
	(erf) = vpow2.f32 v1  }
0x8a: {  	v2 =	vmul.f32 $6.931471820e-01, v2;
	v1 =	vmul.f32 $1.442695020e+00, v4;
	v4 =	vld [tilespmem:$0x290]  }
0x8b: {  	v3 =	vmul.f32 $6.931471820e-01, v3;
	v0 =	vmul.f32 $1.442695020e+00, v0;
	v11 =	vld [tilespmem:$0x2A0]  }
0x8c: {  	v8 =	vmul.f32 $6.931471820e-01, v8;
	v9 =	vmul.f32 $6.931471820e-01, v9;
	v12 =	vld [tilespmem:$0x2B0]  }
0x8d: {  	v3 =	vmul.f32 $1.442695020e+00, v3;
	v7 =	vmul.f32 $6.931471820e-01, v7;
	v13 =	vld [tilespmem:$0x2C0]  }
0x8e: {  	v8 =	vmul.f32 $1.442695020e+00, v8;
	(erf) = vpow2.f32 v1  }
0x8f: {  	v1 =	vmul.f32 $6.931471820e-01, v10;
	v4 =	vmul.f32 $6.931471820e-01, v4  }
0x90: {  	v2 =	vmul.f32 $1.442695020e+00, v2;
	v10 =	vmul.f32 $6.931471820e-01, v11  }
0x91: {  	v7 =	vmul.f32 $1.442695020e+00, v7;
	v4 =	vmul.f32 $1.442695020e+00, v4;
	v11 =	vpop (erf)  }
0x92: {  	v6 =	vmul.f32 $6.931471820e-01, v6;
	v1 =	vmul.f32 $1.442695020e+00, v1;
	[tilespmem:$0x2F0] =	vst v11;
	v11 =	vpop (erf)  }
0x93: {  	v9 =	vmul.f32 $1.442695020e+00, v9;
	v10 =	vmul.f32 $1.442695020e+00, v10;
	[tilespmem:$0x2E0] =	vst v11  }
0x94: {  	v5 =	vmul.f32 $1.442695020e+00, v5;
	(erf) = vpow2.f32 v0  }
0x95: {  	v0 =	vmul.f32 $1.442695020e+00, v6;
	(erf) = vpow2.f32 v3  }
0x96: {  	v3 =	vmul.f32 $6.931471820e-01, v12;
	(erf) = vpow2.f32 v10  }
0x97: {  	v6 =	vmul.f32 $6.931471820e-01, v13;
	v10 =	vpop (erf);
	(erf) = vpow2.f32 v1  }
0x98: {  	v1 =	vmul.f32 $1.442695020e+00, v3;
	[tilespmem:$0x230] =	vst v10;
	(erf) = vpow2.f32 v7  }
0x99: {  	v3 =	vmul.f32 $1.442695020e+00, v6;
	(erf) = vpow2.f32 v5  }
0x9a: {  	(erf) = vpow2.f32 v9  }
0x9b: {  	(erf) = vpow2.f32 v3  }
0x9c: {  	(erf) = vpow2.f32 v8  }
0x9d: {  	v3 =	vpop (erf);
	(erf) = vpow2.f32 v1  }
0x9e: {  	[tilespmem:$0x200] =	vst v3;
	v1 =	vpop (erf);
	(erf) = vpow2.f32 v2  }
0x9f: {  	[tilespmem:$0x220] =	vst v1;
	(erf) = vpow2.f32 v0;
	v0 =	vpop (erf)  }
0xa0: {  	[tilespmem:$0x2A0] =	vst v0;
	v0 =	vpop (erf);
	(erf) = vpow2.f32 v4  }
0xa1: {  	[tilespmem:$0x270] =	vst v0;
	v0 =	vpop (erf)  }
0xa2: {  	[tilespmem:$0x2D0] =	vst v0;
	v0 =	vpop (erf)  }
0xa3: {  	[tilespmem:$0x210] =	vst v0;
	v0 =	vpop (erf)  }
0xa4: {  	[tilespmem:$0x260] =	vst v0;
	v0 =	vpop (erf)  }
0xa5: {  	[tilespmem:$0x2C0] =	vst v0;
	v0 =	vpop (erf)  }
0xa6: {  	[tilespmem:$0x250] =	vst v0;
	v0 =	vpop (erf)  }
0xa7: {  	[tilespmem:$0x2B0] =	vst v0;
	v0 =	vpop (erf)  }
0xa8: {  	[tilespmem:$0x240] =	vst v0;
	v0 =	vpop (erf)  }
0xa9: {  	[tilespmem:$0x280] =	vst v0;
	v0 =	vpop (erf)  }
0xaa: {  	[tilespmem:$0x290] =	vst v0  }
0xab: {  	[hbm4b:s12+s2] =	stream.linear.scatter [tilespmem:s8], [sflag:$0x4], $0x100, $0x38;
	[tilespmem:$0x400] =	vst v63  }
.Ltmp1:
0xac: {  	_ = 	snop;
	(pc) =	sbr.rel @p0 .LBB2_1-.Ltmp1, $4  }
0xad: {  	_ =	swait.ge [sflag:s13], $0x100  }
0xae: {  	[sflag:s13] =	ssyncset.done $0x0  }
0xaf: {  	[sflag:s13] =	ssyncadd.s32 $0xFFFFFF00  }
0xb0: {  	v0 =	vld [tilespmem:$0x380]  }
.LBB2_2:
0xb1: {  	v1 =	vld [tilespmem:$0x310]  }
0xb2: {  	v2 =	vld [tilespmem:$0x320]  }
0xb3: {  	v3 =	vld [tilespmem:$0x330]  }
0xb4: {  	v4 =	vld [tilespmem:$0x340]  }
0xb5: {  	v5 =	vld [tilespmem:$0x350]  }
0xb6: {  	v6 =	vld [tilespmem:$0x360]  }
0xb7: {  	v7 =	vld [tilespmem:$0x370]  }
0xb8: {  	v8 =	vld [tilespmem:$0x300]  }
0xb9: {  	v9 =	vld [tilespmem:$0x3D0]  }
0xba: {  	v10 =	vld [tilespmem:$0x3B0]  }
0xbb: {  	v11 =	vld [tilespmem:$0x390]  }
0xbc: {  	v36 =	vld [tilespmem:$0x3E0];
	v0 =	vmul.f32 $6.931471820e-01, v0;
	v1 =	vmul.f32 $6.931471820e-01, v1  }
0xbd: {  	v37 =	vld [tilespmem:$0x3C0];
	v2 =	vmul.f32 $6.931471820e-01, v2;
	v3 =	vmul.f32 $6.931471820e-01, v3  }
0xbe: {  	v4 =	vmul.f32 $6.931471820e-01, v4;
	v5 =	vmul.f32 $6.931471820e-01, v5  }
0xbf: {  	v6 =	vmul.f32 $6.931471820e-01, v6;
	v7 =	vmul.f32 $6.931471820e-01, v7  }
0xc0: {  	v8 =	vmul.f32 $6.931471820e-01, v8;
	v9 =	vmul.f32 $6.931471820e-01, v9  }
0xc1: {  	v39 =	vmul.f32 $6.931471820e-01, v10;
	v41 =	vmul.f32 $6.931471820e-01, v36  }
0xc2: {  	v42 =	vmul.f32 $6.931471820e-01, v37;
	v44 =	vmul.f32 $6.931471820e-01, v11  }
0xc3: {  	v0 =	vmul.f32 $1.442695020e+00, v0;
	v4 =	vmul.f32 $1.442695020e+00, v4  }
0xc4: {  	v1 =	vmul.f32 $1.442695020e+00, v1;
	v5 =	vmul.f32 $1.442695020e+00, v5  }
0xc5: {  	v6 =	vmul.f32 $1.442695020e+00, v6;
	(erf) = vpow2.f32 v4  }
0xc6: {  	v35 =	vmul.f32 $1.442695020e+00, v7;
	(erf) = vpow2.f32 v5  }
0xc7: {  	v3 =	vmul.f32 $1.442695020e+00, v3;
	(erf) = vpow2.f32 v6  }
0xc8: {  	v2 =	vmul.f32 $1.442695020e+00, v2;
	(erf) = vpow2.f32 v35  }
0xc9: {  	v38 =	vld [tilespmem:$0x3F0];
	v40 =	vmul.f32 $1.442695020e+00, v9;
	(erf) = vpow2.f32 v3  }
0xca: {  	v43 =	vld [tilespmem:$0x3A0];
	v47 =	vmul.f32 $1.442695020e+00, v8;
	(erf) = vpow2.f32 v1  }
0xcb: {  	v4 =	vmul.f32 $1.442695020e+00, v39;
	(erf) = vpow2.f32 v2  }
0xcc: {  	v2 =	vmul.f32 $1.442695020e+00, v42;
	(erf) = vpow2.f32 v40  }
0xcd: {  	v5 =	vmul.f32 $1.442695020e+00, v44;
	(erf) = vpow2.f32 v0  }
0xce: {  	v6 =	vmul.f32 $6.931471820e-01, v38;
	v45 =	vpop (erf);
	(erf) = vpow2.f32 v2  }
0xcf: {  	v3 =	vmul.f32 $6.931471820e-01, v43;
	[tilespmem:$0x340] =	vst v45;
	v46 =	vpop (erf);
	(erf) = vpow2.f32 v5  }
0xd0: {  	v1 =	vmul.f32 $1.442695020e+00, v41;
	[tilespmem:$0x350] =	vst v46;
	v48 =	vpop (erf);
	(erf) = vpow2.f32 v4  }
0xd1: {  	v50 =	vmul.f32 $1.442695020e+00, v6;
	[tilespmem:$0x360] =	vst v48;
	v49 =	vpop (erf);
	(erf) = vpow2.f32 v47  }
0xd2: {  	v52 =	vmul.f32 $1.442695020e+00, v3;
	[tilespmem:$0x370] =	vst v49;
	v51 =	vpop (erf);
	(erf) = vpow2.f32 v1  }
0xd3: {  	[tilespmem:$0x330] =	vst v51;
	v53 =	vpop (erf);
	(erf) = vpow2.f32 v50  }
0xd4: {  	[tilespmem:$0x310] =	vst v53;
	v54 =	vpop (erf);
	(erf) = vpow2.f32 v52  }
0xd5: {  	v55 =	vpop (erf);
	[tilespmem:$0x320] =	vst v54  }
0xd6: {  	[tilespmem:$0x3D0] =	vst v55;
	v56 =	vpop (erf)  }
0xd7: {  	[tilespmem:$0x380] =	vst v56;
	v57 =	vpop (erf)  }
0xd8: {  	[tilespmem:$0x3C0] =	vst v57;
	v58 =	vpop (erf)  }
0xd9: {  	[tilespmem:$0x390] =	vst v58;
	v59 =	vpop (erf)  }
0xda: {  	[tilespmem:$0x3B0] =	vst v59;
	v60 =	vpop (erf)  }
0xdb: {  	[tilespmem:$0x300] =	vst v60;
	v61 =	vpop (erf)  }
0xdc: {  	[tilespmem:$0x3E0] =	vst v61;
	v62 =	vpop (erf)  }
0xdd: {  	[tilespmem:$0x3F0] =	vst v62;
	v63 =	vpop (erf)  }
0xde: {  	[tilespmem:$0x3A0] =	vst v63  }
0xdf: {  	[hbm4b:s11+s2] =	stream.linear.scatter [tilespmem:s3], [sflag:$0x4], $0x100, $0x38;
	[tilespmem:$0x400] =	vst v63  }
0xe0: {  	_ =	swait.ge [sflag:s10], $0x100  }
0xe1: {  	[sflag:s10] =	ssyncset.done $0x0  }
0xe2: {  	[sflag:s10] =	ssyncadd.s32 $0xFFFFFF00  }
0xe3: {  	_ =	swait.ge [sflag:s10], $0x100  }
0xe4: {  	[sflag:s10] =	ssyncset.done $0x0  }
0xe5: {  	[sflag:s10] =	ssyncadd.s32 $0xFFFFFF00  }
0xe6: {  	_ =	sfence.sel $0x180000  }
0xe7: {  	[bflag:$0x0] =	sbarrier.arrive $0xFFFF  }
0xe8: {  	p0 =	sne.s32 s1, $0x0;
	_ =	strace $0x90000047  }
0xe9: {  	s0 =	sadd.s32 @!p0 $0x100000, s0;
	[bflag:$0x2] =	sbarrier.arrive $0xFFFF  }
0xea: {  	[sflag:s0] =	ssyncadd.tile.s32 @!p0 $0x1;
	_ =	shalt  }
.Lfunc_end2:
_tile_overlayer_lowered:
.L_overlay_start_2:
0xeb: {  	(tag) =	ssettag $0x2  }
0xec: {  	s0 =	rddreg [dreg:$0x0];
	s2 =	stileid.u32  }
0xed: {  	s1 =	rddreg [dreg:$0x1];
	p0 =	sne.s32 s2, $0x0  }
0xee: {  	s3 =	rddreg [dreg:$0x2];
	[bflag:$0x3] =	sbarrier.arrive $0xFFFF;
	s2 =	simm.s32 @!p0 $0x1C05  }
0xef: {  	[timem:s3], [sflag:s2] =	dma.local @!p0 [hbm:s0], s1  }
0xf0: {  	s0 =	simm.s32 @!p0 $0x5  }
0xf1: {  	_ =	swait.ge @!p0 [sflag:s0], s1  }
0xf2: {  	s1 =	ssub.s32 @!p0 $0x0, s1;
	[sflag:s0] =	ssyncset.done @!p0 $0x0  }
0xf3: {  	[sflag:s0] =	ssyncadd.s32 @!p0 s1  }
0xf4: {  	[bflag:$0x3] =	sbarrier.arrive $0xFFFF  }
0xf5: {  	_ =	shalt  }

</sc_bundles>
